<compile_context>
chip_gen: v7x
topology: tpu7x:2x2x1
jax: 0.10.2.dev20260603
libtpu: 0.0.44.dev20260713+nightly
codegen_flags: <defaults>
</compile_context>

<pallas_src>
import functools

import jax
import jax.numpy as jnp
from jax import lax
from jax.experimental import pallas as pl
from jax.experimental.pallas import tpu as pltpu
from jax.experimental.pallas import tpu_sc as plsc

N_N = 10000
N_E = 320000
D_N = 128
D_E = 16
G_D = 64
H = 64
H3 = 3 * H

NC = 2
NS = 16
NW = NC * NS

EPT_G = N_E // NW
EPT_S = N_E // NW

G_SUB = 80
G_NSUB = 5
G_ROWS = G_SUB * G_NSUB
G_NGRP = EPT_G // G_ROWS

S_SUB = 100
S_NSUB = 10
S_ROWS = S_SUB * S_NSUB
S_NGRP = EPT_S // S_ROWS

N_PAD = 10240
RPT = N_PAD // NS


def _scg_body(x_hbm, src_hbm, gx_out, src_v, rows_v, gsem, wsem):
    c = lax.axis_index("c")
    s = lax.axis_index("s")
    wid = c * NS + s
    base0 = wid * EPT_G
    pltpu.sync_copy(src_hbm.at[wid], src_v)

    def grp_body(g, carry):
        slot = lax.rem(g, 2)
        @pl.when(g >= 2)
        def _():
            pltpu.make_async_copy(
                gx_out.at[pl.ds(0, G_ROWS)], rows_v.at[0], wsem).wait()

        descs = []
        for k in range(G_NSUB):
            descs.append(pltpu.async_copy(
                x_hbm.at[src_v.at[g, k]],
                rows_v.at[slot, pl.ds(k * G_SUB, G_SUB)], gsem))
        for d in descs:
            d.wait()
        base = pl.multiple_of(base0 + g * G_ROWS, 8)
        pltpu.async_copy(rows_v.at[slot], gx_out.at[pl.ds(base, G_ROWS)], wsem)
        return carry

    lax.fori_loop(0, G_NGRP, grp_body, 0)
    pltpu.make_async_copy(gx_out.at[pl.ds(0, G_ROWS)], rows_v.at[0], wsem).wait()
    pltpu.make_async_copy(gx_out.at[pl.ds(0, G_ROWS)], rows_v.at[0], wsem).wait()


def _sc_gather(x, src3):
    mesh = plsc.VectorSubcoreMesh(core_axis_name="c", subcore_axis_name="s",
                                  num_cores=NC, num_subcores=NS)
    fn = pl.kernel(
        _scg_body,
        out_type=jax.ShapeDtypeStruct((N_E, D_N), jnp.float32),
        mesh=mesh,
        scratch_types=[
            pltpu.VMEM((G_NGRP, G_NSUB, G_SUB), jnp.int32),
            pltpu.VMEM((2, G_ROWS, D_N), jnp.float32),
            pltpu.SemaphoreType.DMA,
            pltpu.SemaphoreType.DMA,
        ],
        compiler_params=pltpu.CompilerParams(use_tc_tiling_on_sc=False),
    )
    return fn(x, src3)


def _tce_body(gx_ref, e_ref, w2et_ref, w1et_ref, g_ref, wget_ref, be_ref,
              bne_ref, he_ref):
    const_e = jnp.dot(g_ref[...], wget_ref[...],
                      preferred_element_type=jnp.float32) + be_ref[...]
    gi = jnp.dot(gx_ref[...], w2et_ref[...],
                 preferred_element_type=jnp.float32)
    gi = gi + jnp.dot(e_ref[...], w1et_ref[...],
                      preferred_element_type=jnp.float32) + const_e
    i_r = gi[:, :H]
    i_z = gi[:, H:2 * H]
    i_n = gi[:, 2 * H:]
    r = 0.5 + 0.5 * jnp.tanh(0.5 * i_r)
    omz = 0.5 - 0.5 * jnp.tanh(0.5 * i_z)
    n = jnp.tanh(i_n + r * bne_ref[...])
    he_ref[...] = omz * n


def _tce(gx, e, w2et, w1et, g, wget, be, bne):
    blk = 4000
    grid = N_E // blk
    return pl.pallas_call(
        _tce_body,
        grid=(grid,),
        in_specs=[
            pl.BlockSpec((blk, D_N), lambda i: (i, 0)),
            pl.BlockSpec((blk, D_E), lambda i: (i, 0)),
            pl.BlockSpec((D_N, H3), lambda i: (0, 0)),
            pl.BlockSpec((D_E, H3), lambda i: (0, 0)),
            pl.BlockSpec((1, G_D), lambda i: (0, 0)),
            pl.BlockSpec((G_D, H3), lambda i: (0, 0)),
            pl.BlockSpec((1, H3), lambda i: (0, 0)),
            pl.BlockSpec((1, H), lambda i: (0, 0)),
        ],
        out_specs=pl.BlockSpec((blk, H), lambda i: (i, 0)),
        out_shape=jax.ShapeDtypeStruct((N_E, H), jnp.float32),
    )(gx, e, w2et, w1et, g, wget, be, bne)


def _scs_body(he_hbm, dst_hbm, zeros_hbm, agg_out,
              dst_v, h_v, agg_sh, lsem):
    c = lax.axis_index("c")
    s = lax.axis_index("s")
    wid = c * NS + s
    base0 = wid * EPT_S

    pltpu.sync_copy(zeros_hbm.at[pl.ds(s * RPT, RPT)],
                    agg_sh.at[pl.ds(s * RPT, RPT)])
    pltpu.sync_copy(dst_hbm.at[wid], dst_v)
    plsc.subcore_barrier()

    def grp_body(g, carry):
        base = pl.multiple_of(base0 + g * S_ROWS, 8)
        pltpu.async_copy(he_hbm.at[pl.ds(base, S_ROWS)], h_v, lsem).wait()
        for k in range(S_NSUB):
            pltpu.sync_copy(h_v.at[pl.ds(k * S_SUB, S_SUB)],
                            agg_sh.at[dst_v.at[g * S_NSUB + k]], add=True)
        return carry

    lax.fori_loop(0, S_NGRP, grp_body, 0)
    plsc.subcore_barrier()
    pltpu.sync_copy(agg_sh.at[pl.ds(s * RPT, RPT)],
                    agg_out.at[c, pl.ds(s * RPT, RPT)])


def _sc_scatter(he, dst3, zeros_n):
    mesh = plsc.VectorSubcoreMesh(core_axis_name="c", subcore_axis_name="s",
                                  num_cores=NC, num_subcores=NS)
    fn = pl.kernel(
        _scs_body,
        out_type=jax.ShapeDtypeStruct((NC, N_PAD, H), jnp.float32),
        mesh=mesh,
        scratch_types=[
            pltpu.VMEM((S_NGRP * S_NSUB, S_SUB), jnp.int32),
            pltpu.VMEM((S_ROWS, H), jnp.float32),
            pltpu.VMEM_SHARED((N_PAD, H), jnp.float32),
            pltpu.SemaphoreType.DMA,
        ],
        compiler_params=pltpu.CompilerParams(use_tc_tiling_on_sc=False),
    )
    return fn(he, dst3, zeros_n)


def _tc2_body(aggp_ref, x_ref, w1nt_ref, w2nt_ref, g_ref, wgnt_ref, bn_ref,
              bnn_ref, wgt_ref, bg_ref, hv_ref, gnew_ref, acc_ref):
    i = pl.program_id(0)
    agg = aggp_ref[0] + aggp_ref[1]
    const_n = jnp.dot(g_ref[...], wgnt_ref[...],
                      preferred_element_type=jnp.float32) + bn_ref[...]
    gin = jnp.dot(agg, w1nt_ref[...], preferred_element_type=jnp.float32) \
        + jnp.dot(x_ref[...], w2nt_ref[...], preferred_element_type=jnp.float32) \
        + const_n
    i_r = gin[:, :H]
    i_z = gin[:, H:2 * H]
    i_n = gin[:, 2 * H:]
    r = 0.5 + 0.5 * jnp.tanh(0.5 * i_r)
    omz = 0.5 - 0.5 * jnp.tanh(0.5 * i_z)
    n = jnp.tanh(i_n + r * bnn_ref[...])
    hv = omz * n
    hv_ref[...] = hv
    part = jnp.concatenate([jnp.sum(agg, axis=0, keepdims=True),
                            jnp.sum(hv, axis=0, keepdims=True)], axis=1)

    @pl.when(i == 0)
    def _():
        acc_ref[...] = part

    @pl.when(i > 0)
    def _():
        acc_ref[...] = acc_ref[...] + part

    @pl.when(i == pl.num_programs(0) - 1)
    def _():
        mean_he = acc_ref[0:1, :H] * (1.0 / N_E)
        mean_hv = acc_ref[0:1, H:] * (1.0 / N_N)
        g_in = jnp.concatenate([mean_he, mean_hv, g_ref[...]], axis=1)
        gnew_ref[...] = jnp.maximum(
            jnp.dot(g_in, wgt_ref[...], preferred_element_type=jnp.float32)
            + bg_ref[...], 0.0)


def _tc2(aggp, x, w1nt, w2nt, g, wgnt, bn, bnn, wgt, bg):
    blk = 1000
    grid = N_N // blk
    return pl.pallas_call(
        _tc2_body,
        grid=(grid,),
        in_specs=[
            pl.BlockSpec((NC, blk, H), lambda i: (0, i, 0)),
            pl.BlockSpec((blk, D_N), lambda i: (i, 0)),
            pl.BlockSpec((H, H3), lambda i: (0, 0)),
            pl.BlockSpec((D_N, H3), lambda i: (0, 0)),
            pl.BlockSpec((1, G_D), lambda i: (0, 0)),
            pl.BlockSpec((G_D, H3), lambda i: (0, 0)),
            pl.BlockSpec((1, H3), lambda i: (0, 0)),
            pl.BlockSpec((1, H), lambda i: (0, 0)),
            pl.BlockSpec((H3, G_D), lambda i: (0, 0)),
            pl.BlockSpec((1, G_D), lambda i: (0, 0)),
        ],
        out_specs=[
            pl.BlockSpec((blk, H), lambda i: (i, 0)),
            pl.BlockSpec((1, G_D), lambda i: (0, 0)),
        ],
        out_shape=[
            jax.ShapeDtypeStruct((N_N, H), jnp.float32),
            jax.ShapeDtypeStruct((1, G_D), jnp.float32),
        ],
        scratch_shapes=[pltpu.VMEM((1, 2 * H), jnp.float32)],
    )(aggp, x, w1nt, w2nt, g, wgnt, bn, bnn, wgt, bg)


def kernel(x, e, edge_index, global_attr, W_ih_e, W_hh_e, b_ih_e, b_hh_e,
           W_ih_n, W_hh_n, b_ih_n, b_hh_n, W_g, b_g):
    w1et = W_ih_e[:, :D_E].T
    w2et = W_ih_e[:, D_E:D_E + D_N].T
    wget = W_ih_e[:, D_E + D_N:].T
    be = (b_ih_e + jnp.concatenate([b_hh_e[:2 * H],
                                    jnp.zeros((H,), jnp.float32)]))[None]
    bne = b_hh_e[2 * H:][None]
    w1nt = W_ih_n[:, :H].T
    w2nt = W_ih_n[:, H:H + D_N].T
    wgnt = W_ih_n[:, H + D_N:].T
    bn = (b_ih_n + jnp.concatenate([b_hh_n[:2 * H],
                                    jnp.zeros((H,), jnp.float32)]))[None]
    bnn = b_hh_n[2 * H:][None]
    wgt = W_g.T
    bg = b_g[None]
    src3 = edge_index[0].reshape(NW, G_NGRP, G_NSUB, G_SUB)
    dst3 = edge_index[1].reshape(NW, S_NGRP * S_NSUB, S_SUB)
    zeros_n = jnp.zeros((N_PAD, H), jnp.float32)

    gx = _sc_gather(x, src3)
    h_e = _tce(gx, e, w2et, w1et, global_attr, wget, be, bne)
    aggp = _sc_scatter(h_e, dst3, zeros_n)
    h_v, g_new = _tc2(aggp, x, w1nt, w2nt, global_attr, wgnt, bn, bnn,
                      wgt, bg)
    return (h_e, h_v, g_new)

# --- scband reference (transcript-rebuilt; emitter-appended) ---
"""Pipeline reference for scband-rgn-31885837206088 (READ-ONLY COPY).

The authoritative reference and input builder live on the scoring server;
editing this copy changes nothing except your own understanding.
"""

import jax, jax.numpy as jnp
import numpy as np

N_NODES = 10000
N_EDGES = 320000
D_NODE = 128
D_EDGE = 16
G_DIM = 64
H_DIM = 64


def _gru(x, h, W_ih, W_hh, b_ih, b_hh):
    # PyTorch nn.GRUCell semantics
    gi = x @ W_ih.T + b_ih
    gh = h @ W_hh.T + b_hh
    i_r, i_z, i_n = jnp.split(gi, 3, axis=1)
    h_r, h_z, h_n = jnp.split(gh, 3, axis=1)
    r = jax.nn.sigmoid(i_r + h_r)
    z = jax.nn.sigmoid(i_z + h_z)
    n = jnp.tanh(i_n + r * h_n)
    return (1.0 - z) * n + z * h


def setup_inputs(seed: int = 0):
    key = jax.random.key(seed)
    ks = jax.random.split(key, 16)
    in_e = D_EDGE + D_NODE + G_DIM  # edge GRU input: [e, x_src, global]
    in_n = H_DIM + D_NODE + G_DIM   # node GRU input: [agg_edges, x, global]
    s = 1.0 / np.sqrt(H_DIM)
    inp = {}
    inp['x'] = jax.random.normal(ks[0], (N_NODES, D_NODE), dtype=jnp.float32)
    inp['e'] = jax.random.normal(ks[1], (N_EDGES, D_EDGE), dtype=jnp.float32)
    inp['edge_index'] = jax.random.randint(ks[2], (2, N_EDGES), 0, N_NODES, dtype=jnp.int32)
    inp['global_attr'] = jax.random.normal(ks[3], (1, G_DIM), dtype=jnp.float32)
    # Edge-block GRUCell params
    inp['W_ih_e'] = jax.random.uniform(ks[4], (3 * H_DIM, in_e), minval=-s, maxval=s, dtype=jnp.float32)
    inp['W_hh_e'] = jax.random.uniform(ks[5], (3 * H_DIM, H_DIM), minval=-s, maxval=s, dtype=jnp.float32)
    inp['b_ih_e'] = jax.random.uniform(ks[6], (3 * H_DIM,), minval=-s, maxval=s, dtype=jnp.float32)
    inp['b_hh_e'] = jax.random.uniform(ks[7], (3 * H_DIM,), minval=-s, maxval=s, dtype=jnp.float32)
    # Node-block GRUCell params
    inp['W_ih_n'] = jax.random.uniform(ks[8], (3 * H_DIM, in_n), minval=-s, maxval=s, dtype=jnp.float32)
    inp['W_hh_n'] = jax.random.uniform(ks[9], (3 * H_DIM, H_DIM), minval=-s, maxval=s, dtype=jnp.float32)
    inp['b_ih_n'] = jax.random.uniform(ks[10], (3 * H_DIM,), minval=-s, maxval=s, dtype=jnp.float32)
    inp['b_hh_n'] = jax.random.uniform(ks[11], (3 * H_DIM,), minval=-s, maxval=s, dtype=jnp.float32)
    # Global-block Linear params
    sg = 1.0 / np.sqrt(H_DIM + H_DIM + G_DIM)
    inp['W_g'] = jax.random.uniform(ks[12], (G_DIM, H_DIM + H_DIM + G_DIM), minval=-sg, maxval=sg, dtype=jnp.float32)
    inp['b_g'] = jax.random.uniform(ks[13], (G_DIM,), minval=-sg, maxval=sg, dtype=jnp.float32)
    return inp


def reference(x, e, edge_index, global_attr, W_ih_e, W_hh_e, b_ih_e, b_hh_e,
              W_ih_n, W_hh_n, b_ih_n, b_hh_n, W_g, b_g):
    N = x.shape[0]
    E = e.shape[0]
    src = edge_index[0]
    dst = edge_index[1]
    # --- EdgeBlock: GRUCell([e, x_sender, global], hidden=h0_e (zeros)) ---
    g_e = jnp.broadcast_to(global_attr, (E, global_attr.shape[1]))
    edge_in = jnp.concatenate([e, jnp.take(x, src, axis=0), g_e], axis=1)
    h0_e = jnp.zeros((E, H_DIM), dtype=x.dtype)
    h_e = _gru(edge_in, h0_e, W_ih_e, W_hh_e, b_ih_e, b_hh_e)
    # --- NodeBlock: aggregate received edges (scatter-add by dst), GRUCell ---
    agg = jax.ops.segment_sum(h_e, dst, num_segments=N)
    g_n = jnp.broadcast_to(global_attr, (N, global_attr.shape[1]))
    node_in = jnp.concatenate([agg, x, g_n], axis=1)
    h0_v = jnp.zeros((N, H_DIM), dtype=x.dtype)
    h_v = _gru(node_in, h0_v, W_ih_n, W_hh_n, b_ih_n, b_hh_n)
    # --- GlobalBlock: mean over edges, mean over nodes, Linear+ReLU ---
    g_in = jnp.concatenate([jnp.mean(h_e, axis=0, keepdims=True),
                            jnp.mean(h_v, axis=0, keepdims=True),
                            global_attr], axis=1)
    g_new = jax.nn.relu(g_in @ W_g.T + b_g)
    return (h_e, h_v, g_new)

if __name__ == "__main__":
    import jax
    _d = setup_inputs()
    print(jax.jit(kernel)(*tuple(_d.values())))

</pallas_src>

<mosaic_0001>
#map = affine_map<(d0, d1) -> (0, 0)>
#map1 = affine_map<(d0, d1) -> (0, 0, 0, 0)>
module attributes {stable_mosaic.version = 14 : i64} {
  func.func @_scg_body(%arg0: i32, %arg1: i32, %arg2: memref<10000x128xf32, #tpu.memory_space<hbm>>, %arg3: memref<32x25x5x80xi32, #tpu.memory_space<hbm>>, %arg4: memref<320000x128xf32, #tpu.memory_space<hbm>>, %arg5: memref<25x5x80xi32, #tpu.memory_space<vmem>>, %arg6: memref<2x400x128xf32, #tpu.memory_space<vmem>>, %arg7: memref<!tpu.dma_semaphore, #tpu.memory_space<semaphore_mem>>, %arg8: memref<!tpu.dma_semaphore, #tpu.memory_space<semaphore_mem>>) attributes {dimension_semantics = [#tpu.dimension_semantics<core_parallel>, #tpu.dimension_semantics<subcore_parallel>], iteration_bounds = array<i64: 2, 16>, scalar_prefetch = 0 : i64, scratch_operands = 4 : i64, tpu.core_type = #tpu.core_type<sc_vector_subcore>, window_params = [{transform_indices = #map}, {transform_indices = #map1}, {transform_indices = #map}]} {
    %mul3A = arith.constant 16 : i32
    %mul3A_0 = arith.muli %arg0, %mul3A : i32
    %add3A = arith.addi %mul3A_0, %arg1 : i32
    %mul3A_1 = arith.constant 10000 : i32
    %mul3A_2 = arith.muli %add3A, %mul3A_1 : i32
    "tpu.region"() ({
      %run_scoped3A = tpu.sem_alloc : memref<!tpu.dma_semaphore, #tpu.memory_space<semaphore_mem>>
      %dma_start3A = arith.constant 0 : i32
      %dma_start3A_37 = arith.constant 0 : i32
      %dma_start3A_38 = arith.constant 0 : i32
      %dma_start3A_39 = tpu.memref_slice %arg3[%add3A, %dma_start3A, %dma_start3A_37, %dma_start3A_38] : memref<32x25x5x80xi32, #tpu.memory_space<hbm>> -> memref<1x25x5x80xi32, #tpu.memory_space<hbm>>
      %dma_start3A_40 = tpu.memref_squeeze %dma_start3A_39 : memref<1x25x5x80xi32, #tpu.memory_space<hbm>> -> memref<25x5x80xi32, #tpu.memory_space<hbm>>
      %dma_start3A_41 = arith.constant 0 : i32
      %dma_start3A_42 = arith.constant 0 : i32
      %dma_start3A_43 = arith.constant 0 : i32
      %dma_start3A_44 = tpu.memref_slice %arg3[%add3A, %dma_start3A_41, %dma_start3A_42, %dma_start3A_43] : memref<32x25x5x80xi32, #tpu.memory_space<hbm>> -> memref<1x25x5x80xi32, #tpu.memory_space<hbm>>
      %dma_start3A_45 = tpu.memref_squeeze %dma_start3A_44 : memref<1x25x5x80xi32, #tpu.memory_space<hbm>> -> memref<25x5x80xi32, #tpu.memory_space<hbm>>
      tpu.enqueue_dma source(%dma_start3A_45 : memref<25x5x80xi32, #tpu.memory_space<hbm>>) target(%arg5 : memref<25x5x80xi32, #tpu.memory_space<vmem>>) target_semaphore(%run_scoped3A : memref<!tpu.dma_semaphore, #tpu.memory_space<semaphore_mem>>)
      %dma_wait3A_46 = arith.constant 0 : i32
      %dma_wait3A_47 = arith.constant 0 : i32
      %dma_wait3A_48 = arith.constant 0 : i32
      %dma_wait3A_49 = tpu.memref_slice %arg3[%add3A, %dma_wait3A_46, %dma_wait3A_47, %dma_wait3A_48] : memref<32x25x5x80xi32, #tpu.memory_space<hbm>> -> memref<1x25x5x80xi32, #tpu.memory_space<hbm>>
      %dma_wait3A_50 = tpu.memref_squeeze %dma_wait3A_49 : memref<1x25x5x80xi32, #tpu.memory_space<hbm>> -> memref<25x5x80xi32, #tpu.memory_space<hbm>>
      %dma_wait3A_51 = arith.constant 0 : i32
      %dma_wait3A_52 = arith.constant 0 : i32
      %dma_wait3A_53 = arith.constant 0 : i32
      %dma_wait3A_54 = tpu.memref_slice %arg3[%add3A, %dma_wait3A_51, %dma_wait3A_52, %dma_wait3A_53] : memref<32x25x5x80xi32, #tpu.memory_space<hbm>> -> memref<1x25x5x80xi32, #tpu.memory_space<hbm>>
      %dma_wait3A_55 = tpu.memref_squeeze %dma_wait3A_54 : memref<1x25x5x80xi32, #tpu.memory_space<hbm>> -> memref<25x5x80xi32, #tpu.memory_space<hbm>>
      tpu.wait_dma2 semaphore(%run_scoped3A : memref<!tpu.dma_semaphore, #tpu.memory_space<semaphore_mem>>) src(%dma_wait3A_55 : memref<25x5x80xi32, #tpu.memory_space<hbm>>) dst(%arg5 : memref<25x5x80xi32, #tpu.memory_space<vmem>>)
      tpu.yield
    }) : () -> ()
    %scan3A = arith.constant 0 : i32
    %scan3A_3 = arith.constant 0 : i32
    %scan3A_4 = arith.constant 25 : i32
    %scan3A_5 = arith.addi %scan3A_3, %scan3A_4 : i32
    %scan3A_6 = arith.constant 1 : i32
    scf.for %scan3A_37 = %scan3A_3 to %scan3A_5 step %scan3A_6  : i32 {
      %rem3A = arith.constant 2 : i32
      %rem3A_38 = arith.remsi %scan3A_37, %rem3A : i32
      %ge3A = arith.constant 2 : i32
      %ge3A_39 = arith.cmpi sge, %scan3A_37, %ge3A : i32
      %convert_element_type3A = arith.extui %ge3A_39 : i1 to i32
      %cond3A = arith.constant 0 : i32
      %cond3A_40 = arith.cmpi ne, %convert_element_type3A, %cond3A : i32
      scf.if %cond3A_40 {
        %dma_wait3A_165 = arith.constant 0 : i32
        %dma_wait3A_166 = arith.constant 0 : i32
        %dma_wait3A_167 = arith.constant 0 : i32
        %dma_wait3A_168 = tpu.memref_slice %arg6[%dma_wait3A_165, %dma_wait3A_166, %dma_wait3A_167] : memref<2x400x128xf32, #tpu.memory_space<vmem>> -> memref<1x400x128xf32, #tpu.memory_space<vmem>>
        %dma_wait3A_169 = tpu.memref_squeeze %dma_wait3A_168 : memref<1x400x128xf32, #tpu.memory_space<vmem>> -> memref<400x128xf32, #tpu.memory_space<vmem>>
        %dma_wait3A_170 = arith.constant 0 : i32
        %dma_wait3A_171 = arith.constant 0 : i32
        %dma_wait3A_172 = tpu.memref_slice %arg4[%dma_wait3A_170, %dma_wait3A_171] : memref<320000x128xf32, #tpu.memory_space<hbm>> -> memref<400x128xf32, #tpu.memory_space<hbm>>
        %dma_wait3A_173 = arith.constant 0 : i32
        %dma_wait3A_174 = arith.constant 0 : i32
        %dma_wait3A_175 = tpu.memref_slice %arg6[%dma_wait3A_165, %dma_wait3A_173, %dma_wait3A_174] : memref<2x400x128xf32, #tpu.memory_space<vmem>> -> memref<1x400x128xf32, #tpu.memory_space<vmem>>
        %dma_wait3A_176 = tpu.memref_squeeze %dma_wait3A_175 : memref<1x400x128xf32, #tpu.memory_space<vmem>> -> memref<400x128xf32, #tpu.memory_space<vmem>>
        %dma_wait3A_177 = arith.constant 0 : i32
        %dma_wait3A_178 = arith.constant 0 : i32
        %dma_wait3A_179 = tpu.memref_slice %arg4[%dma_wait3A_177, %dma_wait3A_178] : memref<320000x128xf32, #tpu.memory_space<hbm>> -> memref<400x128xf32, #tpu.memory_space<hbm>>
        tpu.wait_dma2 semaphore(%arg8 : memref<!tpu.dma_semaphore, #tpu.memory_space<semaphore_mem>>) src(%dma_wait3A_179 : memref<400x128xf32, #tpu.memory_space<hbm>>) dst(%dma_wait3A_176 : memref<400x128xf32, #tpu.memory_space<vmem>>)
      } else {
      }
      %dma_start3A = arith.constant 0 : i32
      %dma_start3A_41 = arith.constant 0 : i32
      %dma_start3A_42 = arith.constant 0 : i32
      %dma_start3A_43 = tpu.memref_slice %arg6[%rem3A_38, %dma_start3A_41, %dma_start3A_42] : memref<2x400x128xf32, #tpu.memory_space<vmem>> -> memref<1x80x128xf32, #tpu.memory_space<vmem>>
      %dma_start3A_44 = tpu.memref_squeeze %dma_start3A_43 : memref<1x80x128xf32, #tpu.memory_space<vmem>> -> memref<80x128xf32, #tpu.memory_space<vmem>>
      %dma_start3A_45 = arith.constant 0 : i32
      %dma_start3A_46 = tpu.memref_slice %arg5[%scan3A_37, %dma_start3A, %dma_start3A_45] : memref<25x5x80xi32, #tpu.memory_space<vmem>> -> memref<1x1x80xi32, #tpu.memory_space<vmem>>
      %dma_start3A_47 = tpu.memref_squeeze %dma_start3A_46 : memref<1x1x80xi32, #tpu.memory_space<vmem>> -> memref<80xi32, #tpu.memory_space<vmem>>
      %dma_start3A_48 = arith.constant 0 : i32
      %dma_start3A_49 = arith.constant 0 : i32
      %dma_start3A_50 = tpu.memref_slice %arg2[%dma_start3A_48, %dma_start3A_49] : memref<10000x128xf32, #tpu.memory_space<hbm>> -> memref<10000x128xf32, #tpu.memory_space<hbm>>
      tpu.enqueue_indirect_dma source(%dma_start3A_50 : memref<10000x128xf32, #tpu.memory_space<hbm>>) target(%dma_start3A_44 : memref<80x128xf32, #tpu.memory_space<vmem>>) offsets(%dma_start3A_47 : memref<80xi32, #tpu.memory_space<vmem>>) semaphore(%arg7 : memref<!tpu.dma_semaphore, #tpu.memory_space<semaphore_mem>>)
      %dma_start3A_51 = arith.constant 1 : i32
      %dma_start3A_52 = arith.constant 80 : i32
      %dma_start3A_53 = arith.constant 0 : i32
      %dma_start3A_54 = tpu.memref_slice %arg6[%rem3A_38, %dma_start3A_52, %dma_start3A_53] : memref<2x400x128xf32, #tpu.memory_space<vmem>> -> memref<1x80x128xf32, #tpu.memory_space<vmem>>
      %dma_start3A_55 = tpu.memref_squeeze %dma_start3A_54 : memref<1x80x128xf32, #tpu.memory_space<vmem>> -> memref<80x128xf32, #tpu.memory_space<vmem>>
      %dma_start3A_56 = arith.constant 0 : i32
      %dma_start3A_57 = tpu.memref_slice %arg5[%scan3A_37, %dma_start3A_51, %dma_start3A_56] : memref<25x5x80xi32, #tpu.memory_space<vmem>> -> memref<1x1x80xi32, #tpu.memory_space<vmem>>
      %dma_start3A_58 = tpu.memref_squeeze %dma_start3A_57 : memref<1x1x80xi32, #tpu.memory_space<vmem>> -> memref<80xi32, #tpu.memory_space<vmem>>
      %dma_start3A_59 = arith.constant 0 : i32
      %dma_start3A_60 = arith.constant 0 : i32
      %dma_start3A_61 = tpu.memref_slice %arg2[%dma_start3A_59, %dma_start3A_60] : memref<10000x128xf32, #tpu.memory_space<hbm>> -> memref<10000x128xf32, #tpu.memory_space<hbm>>
      tpu.enqueue_indirect_dma source(%dma_start3A_61 : memref<10000x128xf32, #tpu.memory_space<hbm>>) target(%dma_start3A_55 : memref<80x128xf32, #tpu.memory_space<vmem>>) offsets(%dma_start3A_58 : memref<80xi32, #tpu.memory_space<vmem>>) semaphore(%arg7 : memref<!tpu.dma_semaphore, #tpu.memory_space<semaphore_mem>>)
      %dma_start3A_62 = arith.constant 2 : i32
      %dma_start3A_63 = arith.constant 160 : i32
      %dma_start3A_64 = arith.constant 0 : i32
      %dma_start3A_65 = tpu.memref_slice %arg6[%rem3A_38, %dma_start3A_63, %dma_start3A_64] : memref<2x400x128xf32, #tpu.memory_space<vmem>> -> memref<1x80x128xf32, #tpu.memory_space<vmem>>
      %dma_start3A_66 = tpu.memref_squeeze %dma_start3A_65 : memref<1x80x128xf32, #tpu.memory_space<vmem>> -> memref<80x128xf32, #tpu.memory_space<vmem>>
      %dma_start3A_67 = arith.constant 0 : i32
      %dma_start3A_68 = tpu.memref_slice %arg5[%scan3A_37, %dma_start3A_62, %dma_start3A_67] : memref<25x5x80xi32, #tpu.memory_space<vmem>> -> memref<1x1x80xi32, #tpu.memory_space<vmem>>
      %dma_start3A_69 = tpu.memref_squeeze %dma_start3A_68 : memref<1x1x80xi32, #tpu.memory_space<vmem>> -> memref<80xi32, #tpu.memory_space<vmem>>
      %dma_start3A_70 = arith.constant 0 : i32
      %dma_start3A_71 = arith.constant 0 : i32
      %dma_start3A_72 = tpu.memref_slice %arg2[%dma_start3A_70, %dma_start3A_71] : memref<10000x128xf32, #tpu.memory_space<hbm>> -> memref<10000x128xf32, #tpu.memory_space<hbm>>
      tpu.enqueue_indirect_dma source(%dma_start3A_72 : memref<10000x128xf32, #tpu.memory_space<hbm>>) target(%dma_start3A_66 : memref<80x128xf32, #tpu.memory_space<vmem>>) offsets(%dma_start3A_69 : memref<80xi32, #tpu.memory_space<vmem>>) semaphore(%arg7 : memref<!tpu.dma_semaphore, #tpu.memory_space<semaphore_mem>>)
      %dma_start3A_73 = arith.constant 3 : i32
      %dma_start3A_74 = arith.constant 240 : i32
      %dma_start3A_75 = arith.constant 0 : i32
      %dma_start3A_76 = tpu.memref_slice %arg6[%rem3A_38, %dma_start3A_74, %dma_start3A_75] : memref<2x400x128xf32, #tpu.memory_space<vmem>> -> memref<1x80x128xf32, #tpu.memory_space<vmem>>
      %dma_start3A_77 = tpu.memref_squeeze %dma_start3A_76 : memref<1x80x128xf32, #tpu.memory_space<vmem>> -> memref<80x128xf32, #tpu.memory_space<vmem>>
      %dma_start3A_78 = arith.constant 0 : i32
      %dma_start3A_79 = tpu.memref_slice %arg5[%scan3A_37, %dma_start3A_73, %dma_start3A_78] : memref<25x5x80xi32, #tpu.memory_space<vmem>> -> memref<1x1x80xi32, #tpu.memory_space<vmem>>
      %dma_start3A_80 = tpu.memref_squeeze %dma_start3A_79 : memref<1x1x80xi32, #tpu.memory_space<vmem>> -> memref<80xi32, #tpu.memory_space<vmem>>
      %dma_start3A_81 = arith.constant 0 : i32
      %dma_start3A_82 = arith.constant 0 : i32
      %dma_start3A_83 = tpu.memref_slice %arg2[%dma_start3A_81, %dma_start3A_82] : memref<10000x128xf32, #tpu.memory_space<hbm>> -> memref<10000x128xf32, #tpu.memory_space<hbm>>
      tpu.enqueue_indirect_dma source(%dma_start3A_83 : memref<10000x128xf32, #tpu.memory_space<hbm>>) target(%dma_start3A_77 : memref<80x128xf32, #tpu.memory_space<vmem>>) offsets(%dma_start3A_80 : memref<80xi32, #tpu.memory_space<vmem>>) semaphore(%arg7 : memref<!tpu.dma_semaphore, #tpu.memory_space<semaphore_mem>>)
      %dma_start3A_84 = arith.constant 4 : i32
      %dma_start3A_85 = arith.constant 320 : i32
      %dma_start3A_86 = arith.constant 0 : i32
      %dma_start3A_87 = tpu.memref_slice %arg6[%rem3A_38, %dma_start3A_85, %dma_start3A_86] : memref<2x400x128xf32, #tpu.memory_space<vmem>> -> memref<1x80x128xf32, #tpu.memory_space<vmem>>
      %dma_start3A_88 = tpu.memref_squeeze %dma_start3A_87 : memref<1x80x128xf32, #tpu.memory_space<vmem>> -> memref<80x128xf32, #tpu.memory_space<vmem>>
      %dma_start3A_89 = arith.constant 0 : i32
      %dma_start3A_90 = tpu.memref_slice %arg5[%scan3A_37, %dma_start3A_84, %dma_start3A_89] : memref<25x5x80xi32, #tpu.memory_space<vmem>> -> memref<1x1x80xi32, #tpu.memory_space<vmem>>
      %dma_start3A_91 = tpu.memref_squeeze %dma_start3A_90 : memref<1x1x80xi32, #tpu.memory_space<vmem>> -> memref<80xi32, #tpu.memory_space<vmem>>
      %dma_start3A_92 = arith.constant 0 : i32
      %dma_start3A_93 = arith.constant 0 : i32
      %dma_start3A_94 = tpu.memref_slice %arg2[%dma_start3A_92, %dma_start3A_93] : memref<10000x128xf32, #tpu.memory_space<hbm>> -> memref<10000x128xf32, #tpu.memory_space<hbm>>
      tpu.enqueue_indirect_dma source(%dma_start3A_94 : memref<10000x128xf32, #tpu.memory_space<hbm>>) target(%dma_start3A_88 : memref<80x128xf32, #tpu.memory_space<vmem>>) offsets(%dma_start3A_91 : memref<80xi32, #tpu.memory_space<vmem>>) semaphore(%arg7 : memref<!tpu.dma_semaphore, #tpu.memory_space<semaphore_mem>>)
      %dma_wait3A_95 = arith.constant 0 : i32
      %dma_wait3A_96 = arith.constant 0 : i32
      %dma_wait3A_97 = arith.constant 0 : i32
      %dma_wait3A_98 = tpu.memref_slice %arg6[%rem3A_38, %dma_wait3A_96, %dma_wait3A_97] : memref<2x400x128xf32, #tpu.memory_space<vmem>> -> memref<1x80x128xf32, #tpu.memory_space<vmem>>
      %dma_wait3A_99 = tpu.memref_squeeze %dma_wait3A_98 : memref<1x80x128xf32, #tpu.memory_space<vmem>> -> memref<80x128xf32, #tpu.memory_space<vmem>>
      %dma_wait3A_100 = arith.constant 0 : i32
      %dma_wait3A_101 = tpu.memref_slice %arg5[%scan3A_37, %dma_wait3A_95, %dma_wait3A_100] : memref<25x5x80xi32, #tpu.memory_space<vmem>> -> memref<1x1x80xi32, #tpu.memory_space<vmem>>
      %dma_wait3A_102 = tpu.memref_squeeze %dma_wait3A_101 : memref<1x1x80xi32, #tpu.memory_space<vmem>> -> memref<80xi32, #tpu.memory_space<vmem>>
      %dma_wait3A_103 = arith.constant 0 : i32
      %dma_wait3A_104 = arith.constant 0 : i32
      %dma_wait3A_105 = tpu.memref_slice %arg2[%dma_wait3A_103, %dma_wait3A_104] : memref<10000x128xf32, #tpu.memory_space<hbm>> -> memref<10000x128xf32, #tpu.memory_space<hbm>>
      tpu.wait_indirect_dma semaphore(%arg7 : memref<!tpu.dma_semaphore, #tpu.memory_space<semaphore_mem>>) src(%dma_wait3A_105 : memref<10000x128xf32, #tpu.memory_space<hbm>>) dst(%dma_wait3A_99 : memref<80x128xf32, #tpu.memory_space<vmem>>)
      %dma_wait3A_106 = arith.constant 1 : i32
      %dma_wait3A_107 = arith.constant 80 : i32
      %dma_wait3A_108 = arith.constant 0 : i32
      %dma_wait3A_109 = tpu.memref_slice %arg6[%rem3A_38, %dma_wait3A_107, %dma_wait3A_108] : memref<2x400x128xf32, #tpu.memory_space<vmem>> -> memref<1x80x128xf32, #tpu.memory_space<vmem>>
      %dma_wait3A_110 = tpu.memref_squeeze %dma_wait3A_109 : memref<1x80x128xf32, #tpu.memory_space<vmem>> -> memref<80x128xf32, #tpu.memory_space<vmem>>
      %dma_wait3A_111 = arith.constant 0 : i32
      %dma_wait3A_112 = tpu.memref_slice %arg5[%scan3A_37, %dma_wait3A_106, %dma_wait3A_111] : memref<25x5x80xi32, #tpu.memory_space<vmem>> -> memref<1x1x80xi32, #tpu.memory_space<vmem>>
      %dma_wait3A_113 = tpu.memref_squeeze %dma_wait3A_112 : memref<1x1x80xi32, #tpu.memory_space<vmem>> -> memref<80xi32, #tpu.memory_space<vmem>>
      %dma_wait3A_114 = arith.constant 0 : i32
      %dma_wait3A_115 = arith.constant 0 : i32
      %dma_wait3A_116 = tpu.memref_slice %arg2[%dma_wait3A_114, %dma_wait3A_115] : memref<10000x128xf32, #tpu.memory_space<hbm>> -> memref<10000x128xf32, #tpu.memory_space<hbm>>
      tpu.wait_indirect_dma semaphore(%arg7 : memref<!tpu.dma_semaphore, #tpu.memory_space<semaphore_mem>>) src(%dma_wait3A_116 : memref<10000x128xf32, #tpu.memory_space<hbm>>) dst(%dma_wait3A_110 : memref<80x128xf32, #tpu.memory_space<vmem>>)
      %dma_wait3A_117 = arith.constant 2 : i32
      %dma_wait3A_118 = arith.constant 160 : i32
      %dma_wait3A_119 = arith.constant 0 : i32
      %dma_wait3A_120 = tpu.memref_slice %arg6[%rem3A_38, %dma_wait3A_118, %dma_wait3A_119] : memref<2x400x128xf32, #tpu.memory_space<vmem>> -> memref<1x80x128xf32, #tpu.memory_space<vmem>>
      %dma_wait3A_121 = tpu.memref_squeeze %dma_wait3A_120 : memref<1x80x128xf32, #tpu.memory_space<vmem>> -> memref<80x128xf32, #tpu.memory_space<vmem>>
      %dma_wait3A_122 = arith.constant 0 : i32
      %dma_wait3A_123 = tpu.memref_slice %arg5[%scan3A_37, %dma_wait3A_117, %dma_wait3A_122] : memref<25x5x80xi32, #tpu.memory_space<vmem>> -> memref<1x1x80xi32, #tpu.memory_space<vmem>>
      %dma_wait3A_124 = tpu.memref_squeeze %dma_wait3A_123 : memref<1x1x80xi32, #tpu.memory_space<vmem>> -> memref<80xi32, #tpu.memory_space<vmem>>
      %dma_wait3A_125 = arith.constant 0 : i32
      %dma_wait3A_126 = arith.constant 0 : i32
      %dma_wait3A_127 = tpu.memref_slice %arg2[%dma_wait3A_125, %dma_wait3A_126] : memref<10000x128xf32, #tpu.memory_space<hbm>> -> memref<10000x128xf32, #tpu.memory_space<hbm>>
      tpu.wait_indirect_dma semaphore(%arg7 : memref<!tpu.dma_semaphore, #tpu.memory_space<semaphore_mem>>) src(%dma_wait3A_127 : memref<10000x128xf32, #tpu.memory_space<hbm>>) dst(%dma_wait3A_121 : memref<80x128xf32, #tpu.memory_space<vmem>>)
      %dma_wait3A_128 = arith.constant 3 : i32
      %dma_wait3A_129 = arith.constant 240 : i32
      %dma_wait3A_130 = arith.constant 0 : i32
      %dma_wait3A_131 = tpu.memref_slice %arg6[%rem3A_38, %dma_wait3A_129, %dma_wait3A_130] : memref<2x400x128xf32, #tpu.memory_space<vmem>> -> memref<1x80x128xf32, #tpu.memory_space<vmem>>
      %dma_wait3A_132 = tpu.memref_squeeze %dma_wait3A_131 : memref<1x80x128xf32, #tpu.memory_space<vmem>> -> memref<80x128xf32, #tpu.memory_space<vmem>>
      %dma_wait3A_133 = arith.constant 0 : i32
      %dma_wait3A_134 = tpu.memref_slice %arg5[%scan3A_37, %dma_wait3A_128, %dma_wait3A_133] : memref<25x5x80xi32, #tpu.memory_space<vmem>> -> memref<1x1x80xi32, #tpu.memory_space<vmem>>
      %dma_wait3A_135 = tpu.memref_squeeze %dma_wait3A_134 : memref<1x1x80xi32, #tpu.memory_space<vmem>> -> memref<80xi32, #tpu.memory_space<vmem>>
      %dma_wait3A_136 = arith.constant 0 : i32
      %dma_wait3A_137 = arith.constant 0 : i32
      %dma_wait3A_138 = tpu.memref_slice %arg2[%dma_wait3A_136, %dma_wait3A_137] : memref<10000x128xf32, #tpu.memory_space<hbm>> -> memref<10000x128xf32, #tpu.memory_space<hbm>>
      tpu.wait_indirect_dma semaphore(%arg7 : memref<!tpu.dma_semaphore, #tpu.memory_space<semaphore_mem>>) src(%dma_wait3A_138 : memref<10000x128xf32, #tpu.memory_space<hbm>>) dst(%dma_wait3A_132 : memref<80x128xf32, #tpu.memory_space<vmem>>)
      %dma_wait3A_139 = arith.constant 4 : i32
      %dma_wait3A_140 = arith.constant 320 : i32
      %dma_wait3A_141 = arith.constant 0 : i32
      %dma_wait3A_142 = tpu.memref_slice %arg6[%rem3A_38, %dma_wait3A_140, %dma_wait3A_141] : memref<2x400x128xf32, #tpu.memory_space<vmem>> -> memref<1x80x128xf32, #tpu.memory_space<vmem>>
      %dma_wait3A_143 = tpu.memref_squeeze %dma_wait3A_142 : memref<1x80x128xf32, #tpu.memory_space<vmem>> -> memref<80x128xf32, #tpu.memory_space<vmem>>
      %dma_wait3A_144 = arith.constant 0 : i32
      %dma_wait3A_145 = tpu.memref_slice %arg5[%scan3A_37, %dma_wait3A_139, %dma_wait3A_144] : memref<25x5x80xi32, #tpu.memory_space<vmem>> -> memref<1x1x80xi32, #tpu.memory_space<vmem>>
      %dma_wait3A_146 = tpu.memref_squeeze %dma_wait3A_145 : memref<1x1x80xi32, #tpu.memory_space<vmem>> -> memref<80xi32, #tpu.memory_space<vmem>>
      %dma_wait3A_147 = arith.constant 0 : i32
      %dma_wait3A_148 = arith.constant 0 : i32
      %dma_wait3A_149 = tpu.memref_slice %arg2[%dma_wait3A_147, %dma_wait3A_148] : memref<10000x128xf32, #tpu.memory_space<hbm>> -> memref<10000x128xf32, #tpu.memory_space<hbm>>
      tpu.wait_indirect_dma semaphore(%arg7 : memref<!tpu.dma_semaphore, #tpu.memory_space<semaphore_mem>>) src(%dma_wait3A_149 : memref<10000x128xf32, #tpu.memory_space<hbm>>) dst(%dma_wait3A_143 : memref<80x128xf32, #tpu.memory_space<vmem>>)
      %mul3A_150 = arith.constant 400 : i32
      %mul3A_151 = arith.muli %scan3A_37, %mul3A_150 : i32
      %add3A_152 = arith.addi %mul3A_2, %mul3A_151 : i32
      %multiple_of3A = tpu.assume_multiple %add3A_152, 8 : i32
      %dma_start3A_153 = arith.constant 0 : i32
      %dma_start3A_154 = arith.constant 0 : i32
      %dma_start3A_155 = tpu.memref_slice %arg6[%rem3A_38, %dma_start3A_153, %dma_start3A_154] : memref<2x400x128xf32, #tpu.memory_space<vmem>> -> memref<1x400x128xf32, #tpu.memory_space<vmem>>
      %dma_start3A_156 = tpu.memref_squeeze %dma_start3A_155 : memref<1x400x128xf32, #tpu.memory_space<vmem>> -> memref<400x128xf32, #tpu.memory_space<vmem>>
      %dma_start3A_157 = arith.constant 0 : i32
      %dma_start3A_158 = tpu.memref_slice %arg4[%multiple_of3A, %dma_start3A_157] : memref<320000x128xf32, #tpu.memory_space<hbm>> -> memref<400x128xf32, #tpu.memory_space<hbm>>
      %dma_start3A_159 = arith.constant 0 : i32
      %dma_start3A_160 = tpu.memref_slice %arg4[%multiple_of3A, %dma_start3A_159] : memref<320000x128xf32, #tpu.memory_space<hbm>> -> memref<400x128xf32, #tpu.memory_space<hbm>>
      %dma_start3A_161 = arith.constant 0 : i32
      %dma_start3A_162 = arith.constant 0 : i32
      %dma_start3A_163 = tpu.memref_slice %arg6[%rem3A_38, %dma_start3A_161, %dma_start3A_162] : memref<2x400x128xf32, #tpu.memory_space<vmem>> -> memref<1x400x128xf32, #tpu.memory_space<vmem>>
      %dma_start3A_164 = tpu.memref_squeeze %dma_start3A_163 : memref<1x400x128xf32, #tpu.memory_space<vmem>> -> memref<400x128xf32, #tpu.memory_space<vmem>>
      tpu.enqueue_dma source(%dma_start3A_164 : memref<400x128xf32, #tpu.memory_space<vmem>>) target(%dma_start3A_160 : memref<400x128xf32, #tpu.memory_space<hbm>>) target_semaphore(%arg8 : memref<!tpu.dma_semaphore, #tpu.memory_space<semaphore_mem>>)
    }
    %scan3A_7 = arith.constant 25 : i32
    %dma_wait3A = arith.constant 0 : i32
    %dma_wait3A_8 = arith.constant 0 : i32
    %dma_wait3A_9 = arith.constant 0 : i32
    %dma_wait3A_10 = tpu.memref_slice %arg6[%dma_wait3A, %dma_wait3A_8, %dma_wait3A_9] : memref<2x400x128xf32, #tpu.memory_space<vmem>> -> memref<1x400x128xf32, #tpu.memory_space<vmem>>
    %dma_wait3A_11 = tpu.memref_squeeze %dma_wait3A_10 : memref<1x400x128xf32, #tpu.memory_space<vmem>> -> memref<400x128xf32, #tpu.memory_space<vmem>>
    %dma_wait3A_12 = arith.constant 0 : i32
    %dma_wait3A_13 = arith.constant 0 : i32
    %dma_wait3A_14 = tpu.memref_slice %arg4[%dma_wait3A_12, %dma_wait3A_13] : memref<320000x128xf32, #tpu.memory_space<hbm>> -> memref<400x128xf32, #tpu.memory_space<hbm>>
    %dma_wait3A_15 = arith.constant 0 : i32
    %dma_wait3A_16 = arith.constant 0 : i32
    %dma_wait3A_17 = tpu.memref_slice %arg6[%dma_wait3A, %dma_wait3A_15, %dma_wait3A_16] : memref<2x400x128xf32, #tpu.memory_space<vmem>> -> memref<1x400x128xf32, #tpu.memory_space<vmem>>
    %dma_wait3A_18 = tpu.memref_squeeze %dma_wait3A_17 : memref<1x400x128xf32, #tpu.memory_space<vmem>> -> memref<400x128xf32, #tpu.memory_space<vmem>>
    %dma_wait3A_19 = arith.constant 0 : i32
    %dma_wait3A_20 = arith.constant 0 : i32
    %dma_wait3A_21 = tpu.memref_slice %arg4[%dma_wait3A_19, %dma_wait3A_20] : memref<320000x128xf32, #tpu.memory_space<hbm>> -> memref<400x128xf32, #tpu.memory_space<hbm>>
    tpu.wait_dma2 semaphore(%arg8 : memref<!tpu.dma_semaphore, #tpu.memory_space<semaphore_mem>>) src(%dma_wait3A_21 : memref<400x128xf32, #tpu.memory_space<hbm>>) dst(%dma_wait3A_18 : memref<400x128xf32, #tpu.memory_space<vmem>>)
    %dma_wait3A_22 = arith.constant 0 : i32
    %dma_wait3A_23 = arith.constant 0 : i32
    %dma_wait3A_24 = arith.constant 0 : i32
    %dma_wait3A_25 = tpu.memref_slice %arg6[%dma_wait3A_22, %dma_wait3A_23, %dma_wait3A_24] : memref<2x400x128xf32, #tpu.memory_space<vmem>> -> memref<1x400x128xf32, #tpu.memory_space<vmem>>
    %dma_wait3A_26 = tpu.memref_squeeze %dma_wait3A_25 : memref<1x400x128xf32, #tpu.memory_space<vmem>> -> memref<400x128xf32, #tpu.memory_space<vmem>>
    %dma_wait3A_27 = arith.constant 0 : i32
    %dma_wait3A_28 = arith.constant 0 : i32
    %dma_wait3A_29 = tpu.memref_slice %arg4[%dma_wait3A_27, %dma_wait3A_28] : memref<320000x128xf32, #tpu.memory_space<hbm>> -> memref<400x128xf32, #tpu.memory_space<hbm>>
    %dma_wait3A_30 = arith.constant 0 : i32
    %dma_wait3A_31 = arith.constant 0 : i32
    %dma_wait3A_32 = tpu.memref_slice %arg6[%dma_wait3A_22, %dma_wait3A_30, %dma_wait3A_31] : memref<2x400x128xf32, #tpu.memory_space<vmem>> -> memref<1x400x128xf32, #tpu.memory_space<vmem>>
    %dma_wait3A_33 = tpu.memref_squeeze %dma_wait3A_32 : memref<1x400x128xf32, #tpu.memory_space<vmem>> -> memref<400x128xf32, #tpu.memory_space<vmem>>
    %dma_wait3A_34 = arith.constant 0 : i32
    %dma_wait3A_35 = arith.constant 0 : i32
    %dma_wait3A_36 = tpu.memref_slice %arg4[%dma_wait3A_34, %dma_wait3A_35] : memref<320000x128xf32, #tpu.memory_space<hbm>> -> memref<400x128xf32, #tpu.memory_space<hbm>>
    tpu.wait_dma2 semaphore(%arg8 : memref<!tpu.dma_semaphore, #tpu.memory_space<semaphore_mem>>) src(%dma_wait3A_36 : memref<400x128xf32, #tpu.memory_space<hbm>>) dst(%dma_wait3A_33 : memref<400x128xf32, #tpu.memory_space<vmem>>)
    return
  }
}

#map = affine_map<(d0, d1) -> (0, 0)>
#map1 = affine_map<(d0, d1) -> (0, 0, 0)>
module attributes {stable_mosaic.version = 14 : i64} {
  func.func @_scs_body(%arg0: i32, %arg1: i32, %arg2: memref<320000x64xf32, #tpu.memory_space<hbm>>, %arg3: memref<32x100x100xi32, #tpu.memory_space<hbm>>, %arg4: memref<10240x64xf32, #tpu.memory_space<hbm>>, %arg5: memref<2x10240x64xf32, #tpu.memory_space<hbm>>, %arg6: memref<100x100xi32, #tpu.memory_space<vmem>>, %arg7: memref<1000x64xf32, #tpu.memory_space<vmem>>, %arg8: memref<10240x64xf32, #tpu.memory_space<vmem_shared>>, %arg9: memref<!tpu.dma_semaphore, #tpu.memory_space<semaphore_mem>>) attributes {dimension_semantics = [#tpu.dimension_semantics<core_parallel>, #tpu.dimension_semantics<subcore_parallel>], iteration_bounds = array<i64: 2, 16>, scalar_prefetch = 0 : i64, scratch_operands = 4 : i64, tpu.core_type = #tpu.core_type<sc_vector_subcore>, window_params = [{transform_indices = #map}, {transform_indices = #map1}, {transform_indices = #map}, {transform_indices = #map1}]} {
    %mul3A = arith.constant 16 : i32
    %mul3A_0 = arith.muli %arg0, %mul3A : i32
    %add3A = arith.addi %mul3A_0, %arg1 : i32
    %mul3A_1 = arith.constant 10000 : i32
    %mul3A_2 = arith.muli %add3A, %mul3A_1 : i32
    %mul3A_3 = arith.constant 640 : i32
    %mul3A_4 = arith.muli %arg1, %mul3A_3 : i32
    %mul3A_5 = arith.constant 640 : i32
    %mul3A_6 = arith.muli %arg1, %mul3A_5 : i32
    "tpu.region"() ({
      %run_scoped3A = tpu.sem_alloc : memref<!tpu.dma_semaphore, #tpu.memory_space<semaphore_mem>>
      %dma_start3A = arith.constant 0 : i32
      %dma_start3A_17 = tpu.memref_slice %arg8[%mul3A_6, %dma_start3A] : memref<10240x64xf32, #tpu.memory_space<vmem_shared>> -> memref<640x64xf32, #tpu.memory_space<vmem_shared>>
      %dma_start3A_18 = arith.constant 0 : i32
      %dma_start3A_19 = tpu.memref_slice %arg4[%mul3A_4, %dma_start3A_18] : memref<10240x64xf32, #tpu.memory_space<hbm>> -> memref<640x64xf32, #tpu.memory_space<hbm>>
      tpu.enqueue_dma source(%dma_start3A_19 : memref<640x64xf32, #tpu.memory_space<hbm>>) target(%dma_start3A_17 : memref<640x64xf32, #tpu.memory_space<vmem_shared>>) target_semaphore(%run_scoped3A : memref<!tpu.dma_semaphore, #tpu.memory_space<semaphore_mem>>)
      %dma_wait3A = arith.constant 0 : i32
      %dma_wait3A_20 = tpu.memref_slice %arg8[%mul3A_6, %dma_wait3A] : memref<10240x64xf32, #tpu.memory_space<vmem_shared>> -> memref<640x64xf32, #tpu.memory_space<vmem_shared>>
      %dma_wait3A_21 = arith.constant 0 : i32
      %dma_wait3A_22 = tpu.memref_slice %arg4[%mul3A_4, %dma_wait3A_21] : memref<10240x64xf32, #tpu.memory_space<hbm>> -> memref<640x64xf32, #tpu.memory_space<hbm>>
      tpu.wait_dma2 semaphore(%run_scoped3A : memref<!tpu.dma_semaphore, #tpu.memory_space<semaphore_mem>>) src(%dma_wait3A_22 : memref<640x64xf32, #tpu.memory_space<hbm>>) dst(%dma_wait3A_20 : memref<640x64xf32, #tpu.memory_space<vmem_shared>>)
      tpu.yield
    }) : () -> ()
    "tpu.region"() ({
      %run_scoped3A = tpu.sem_alloc : memref<!tpu.dma_semaphore, #tpu.memory_space<semaphore_mem>>
      %dma_start3A = arith.constant 0 : i32
      %dma_start3A_17 = arith.constant 0 : i32
      %dma_start3A_18 = tpu.memref_slice %arg3[%add3A, %dma_start3A, %dma_start3A_17] : memref<32x100x100xi32, #tpu.memory_space<hbm>> -> memref<1x100x100xi32, #tpu.memory_space<hbm>>
      %dma_start3A_19 = tpu.memref_squeeze %dma_start3A_18 : memref<1x100x100xi32, #tpu.memory_space<hbm>> -> memref<100x100xi32, #tpu.memory_space<hbm>>
      %dma_start3A_20 = arith.constant 0 : i32
      %dma_start3A_21 = arith.constant 0 : i32
      %dma_start3A_22 = tpu.memref_slice %arg3[%add3A, %dma_start3A_20, %dma_start3A_21] : memref<32x100x100xi32, #tpu.memory_space<hbm>> -> memref<1x100x100xi32, #tpu.memory_space<hbm>>
      %dma_start3A_23 = tpu.memref_squeeze %dma_start3A_22 : memref<1x100x100xi32, #tpu.memory_space<hbm>> -> memref<100x100xi32, #tpu.memory_space<hbm>>
      tpu.enqueue_dma source(%dma_start3A_23 : memref<100x100xi32, #tpu.memory_space<hbm>>) target(%arg6 : memref<100x100xi32, #tpu.memory_space<vmem>>) target_semaphore(%run_scoped3A : memref<!tpu.dma_semaphore, #tpu.memory_space<semaphore_mem>>)
      %dma_wait3A = arith.constant 0 : i32
      %dma_wait3A_24 = arith.constant 0 : i32
      %dma_wait3A_25 = tpu.memref_slice %arg3[%add3A, %dma_wait3A, %dma_wait3A_24] : memref<32x100x100xi32, #tpu.memory_space<hbm>> -> memref<1x100x100xi32, #tpu.memory_space<hbm>>
      %dma_wait3A_26 = tpu.memref_squeeze %dma_wait3A_25 : memref<1x100x100xi32, #tpu.memory_space<hbm>> -> memref<100x100xi32, #tpu.memory_space<hbm>>
      %dma_wait3A_27 = arith.constant 0 : i32
      %dma_wait3A_28 = arith.constant 0 : i32
      %dma_wait3A_29 = tpu.memref_slice %arg3[%add3A, %dma_wait3A_27, %dma_wait3A_28] : memref<32x100x100xi32, #tpu.memory_space<hbm>> -> memref<1x100x100xi32, #tpu.memory_space<hbm>>
      %dma_wait3A_30 = tpu.memref_squeeze %dma_wait3A_29 : memref<1x100x100xi32, #tpu.memory_space<hbm>> -> memref<100x100xi32, #tpu.memory_space<hbm>>
      tpu.wait_dma2 semaphore(%run_scoped3A : memref<!tpu.dma_semaphore, #tpu.memory_space<semaphore_mem>>) src(%dma_wait3A_30 : memref<100x100xi32, #tpu.memory_space<hbm>>) dst(%arg6 : memref<100x100xi32, #tpu.memory_space<vmem>>)
      tpu.yield
    }) : () -> ()
    %barrier3A = arith.constant 0 : index
    tpu.barrier barrier_id(%barrier3A)
    %scan3A = arith.constant 0 : i32
    %scan3A_7 = arith.constant 0 : i32
    %scan3A_8 = arith.constant 10 : i32
    %scan3A_9 = arith.addi %scan3A_7, %scan3A_8 : i32
    %scan3A_10 = arith.constant 1 : i32
    scf.for %scan3A_17 = %scan3A_7 to %scan3A_9 step %scan3A_10  : i32 {
      %mul3A_18 = arith.constant 1000 : i32
      %mul3A_19 = arith.muli %scan3A_17, %mul3A_18 : i32
      %add3A_20 = arith.addi %mul3A_2, %mul3A_19 : i32
      %multiple_of3A = tpu.assume_multiple %add3A_20, 8 : i32
      %dma_start3A = arith.constant 0 : i32
      %dma_start3A_21 = tpu.memref_slice %arg2[%multiple_of3A, %dma_start3A] : memref<320000x64xf32, #tpu.memory_space<hbm>> -> memref<1000x64xf32, #tpu.memory_space<hbm>>
      %dma_start3A_22 = arith.constant 0 : i32
      %dma_start3A_23 = tpu.memref_slice %arg2[%multiple_of3A, %dma_start3A_22] : memref<320000x64xf32, #tpu.memory_space<hbm>> -> memref<1000x64xf32, #tpu.memory_space<hbm>>
      tpu.enqueue_dma source(%dma_start3A_23 : memref<1000x64xf32, #tpu.memory_space<hbm>>) target(%arg7 : memref<1000x64xf32, #tpu.memory_space<vmem>>) target_semaphore(%arg9 : memref<!tpu.dma_semaphore, #tpu.memory_space<semaphore_mem>>)
      %dma_wait3A = arith.constant 0 : i32
      %dma_wait3A_24 = tpu.memref_slice %arg2[%multiple_of3A, %dma_wait3A] : memref<320000x64xf32, #tpu.memory_space<hbm>> -> memref<1000x64xf32, #tpu.memory_space<hbm>>
      %dma_wait3A_25 = arith.constant 0 : i32
      %dma_wait3A_26 = tpu.memref_slice %arg2[%multiple_of3A, %dma_wait3A_25] : memref<320000x64xf32, #tpu.memory_space<hbm>> -> memref<1000x64xf32, #tpu.memory_space<hbm>>
      tpu.wait_dma2 semaphore(%arg9 : memref<!tpu.dma_semaphore, #tpu.memory_space<semaphore_mem>>) src(%dma_wait3A_26 : memref<1000x64xf32, #tpu.memory_space<hbm>>) dst(%arg7 : memref<1000x64xf32, #tpu.memory_space<vmem>>)
      %mul3A_27 = arith.constant 10 : i32
      %mul3A_28 = arith.muli %scan3A_17, %mul3A_27 : i32
      %add3A_29 = arith.constant 0 : i32
      %add3A_30 = arith.addi %mul3A_28, %add3A_29 : i32
      "tpu.region"() ({
        %run_scoped3A = tpu.sem_alloc : memref<!tpu.dma_semaphore, #tpu.memory_space<semaphore_mem>>
        %dma_start3A_67 = arith.constant 0 : i32
        %dma_start3A_68 = arith.constant 0 : i32
        %dma_start3A_69 = tpu.memref_slice %arg7[%dma_start3A_67, %dma_start3A_68] : memref<1000x64xf32, #tpu.memory_space<vmem>> -> memref<100x64xf32, #tpu.memory_space<vmem>>
        %dma_start3A_70 = arith.constant 0 : i32
        %dma_start3A_71 = tpu.memref_slice %arg6[%add3A_30, %dma_start3A_70] : memref<100x100xi32, #tpu.memory_space<vmem>> -> memref<1x100xi32, #tpu.memory_space<vmem>>
        %dma_start3A_72 = tpu.memref_squeeze %dma_start3A_71 : memref<1x100xi32, #tpu.memory_space<vmem>> -> memref<100xi32, #tpu.memory_space<vmem>>
        %dma_start3A_73 = arith.constant 0 : i32
        %dma_start3A_74 = arith.constant 0 : i32
        %dma_start3A_75 = tpu.memref_slice %arg8[%dma_start3A_73, %dma_start3A_74] : memref<10240x64xf32, #tpu.memory_space<vmem_shared>> -> memref<10240x64xf32, #tpu.memory_space<vmem_shared>>
        tpu.enqueue_indirect_dma source(%dma_start3A_69 : memref<100x64xf32, #tpu.memory_space<vmem>>) target(%dma_start3A_75 : memref<10240x64xf32, #tpu.memory_space<vmem_shared>>) offsets(%dma_start3A_72 : memref<100xi32, #tpu.memory_space<vmem>>) semaphore(%run_scoped3A : memref<!tpu.dma_semaphore, #tpu.memory_space<semaphore_mem>>) {add = true}
        %dma_wait3A_76 = arith.constant 0 : i32
        %dma_wait3A_77 = arith.constant 0 : i32
        %dma_wait3A_78 = tpu.memref_slice %arg7[%dma_wait3A_76, %dma_wait3A_77] : memref<1000x64xf32, #tpu.memory_space<vmem>> -> memref<100x64xf32, #tpu.memory_space<vmem>>
        %dma_wait3A_79 = arith.constant 0 : i32
        %dma_wait3A_80 = tpu.memref_slice %arg6[%add3A_30, %dma_wait3A_79] : memref<100x100xi32, #tpu.memory_space<vmem>> -> memref<1x100xi32, #tpu.memory_space<vmem>>
        %dma_wait3A_81 = tpu.memref_squeeze %dma_wait3A_80 : memref<1x100xi32, #tpu.memory_space<vmem>> -> memref<100xi32, #tpu.memory_space<vmem>>
        %dma_wait3A_82 = arith.constant 0 : i32
        %dma_wait3A_83 = arith.constant 0 : i32
        %dma_wait3A_84 = tpu.memref_slice %arg8[%dma_wait3A_82, %dma_wait3A_83] : memref<10240x64xf32, #tpu.memory_space<vmem_shared>> -> memref<10240x64xf32, #tpu.memory_space<vmem_shared>>
        tpu.wait_indirect_dma semaphore(%run_scoped3A : memref<!tpu.dma_semaphore, #tpu.memory_space<semaphore_mem>>) src(%dma_wait3A_78 : memref<100x64xf32, #tpu.memory_space<vmem>>) dst(%dma_wait3A_84 : memref<10240x64xf32, #tpu.memory_space<vmem_shared>>)
        tpu.yield
      }) : () -> ()
      %mul3A_31 = arith.constant 10 : i32
      %mul3A_32 = arith.muli %scan3A_17, %mul3A_31 : i32
      %add3A_33 = arith.constant 1 : i32
      %add3A_34 = arith.addi %mul3A_32, %add3A_33 : i32
      "tpu.region"() ({
        %run_scoped3A = tpu.sem_alloc : memref<!tpu.dma_semaphore, #tpu.memory_space<semaphore_mem>>
        %dma_start3A_67 = arith.constant 100 : i32
        %dma_start3A_68 = arith.constant 0 : i32
        %dma_start3A_69 = tpu.memref_slice %arg7[%dma_start3A_67, %dma_start3A_68] : memref<1000x64xf32, #tpu.memory_space<vmem>> -> memref<100x64xf32, #tpu.memory_space<vmem>>
        %dma_start3A_70 = arith.constant 0 : i32
        %dma_start3A_71 = tpu.memref_slice %arg6[%add3A_34, %dma_start3A_70] : memref<100x100xi32, #tpu.memory_space<vmem>> -> memref<1x100xi32, #tpu.memory_space<vmem>>
        %dma_start3A_72 = tpu.memref_squeeze %dma_start3A_71 : memref<1x100xi32, #tpu.memory_space<vmem>> -> memref<100xi32, #tpu.memory_space<vmem>>
        %dma_start3A_73 = arith.constant 0 : i32
        %dma_start3A_74 = arith.constant 0 : i32
        %dma_start3A_75 = tpu.memref_slice %arg8[%dma_start3A_73, %dma_start3A_74] : memref<10240x64xf32, #tpu.memory_space<vmem_shared>> -> memref<10240x64xf32, #tpu.memory_space<vmem_shared>>
        tpu.enqueue_indirect_dma source(%dma_start3A_69 : memref<100x64xf32, #tpu.memory_space<vmem>>) target(%dma_start3A_75 : memref<10240x64xf32, #tpu.memory_space<vmem_shared>>) offsets(%dma_start3A_72 : memref<100xi32, #tpu.memory_space<vmem>>) semaphore(%run_scoped3A : memref<!tpu.dma_semaphore, #tpu.memory_space<semaphore_mem>>) {add = true}
        %dma_wait3A_76 = arith.constant 100 : i32
        %dma_wait3A_77 = arith.constant 0 : i32
        %dma_wait3A_78 = tpu.memref_slice %arg7[%dma_wait3A_76, %dma_wait3A_77] : memref<1000x64xf32, #tpu.memory_space<vmem>> -> memref<100x64xf32, #tpu.memory_space<vmem>>
        %dma_wait3A_79 = arith.constant 0 : i32
        %dma_wait3A_80 = tpu.memref_slice %arg6[%add3A_34, %dma_wait3A_79] : memref<100x100xi32, #tpu.memory_space<vmem>> -> memref<1x100xi32, #tpu.memory_space<vmem>>
        %dma_wait3A_81 = tpu.memref_squeeze %dma_wait3A_80 : memref<1x100xi32, #tpu.memory_space<vmem>> -> memref<100xi32, #tpu.memory_space<vmem>>
        %dma_wait3A_82 = arith.constant 0 : i32
        %dma_wait3A_83 = arith.constant 0 : i32
        %dma_wait3A_84 = tpu.memref_slice %arg8[%dma_wait3A_82, %dma_wait3A_83] : memref<10240x64xf32, #tpu.memory_space<vmem_shared>> -> memref<10240x64xf32, #tpu.memory_space<vmem_shared>>
        tpu.wait_indirect_dma semaphore(%run_scoped3A : memref<!tpu.dma_semaphore, #tpu.memory_space<semaphore_mem>>) src(%dma_wait3A_78 : memref<100x64xf32, #tpu.memory_space<vmem>>) dst(%dma_wait3A_84 : memref<10240x64xf32, #tpu.memory_space<vmem_shared>>)
        tpu.yield
      }) : () -> ()
      %mul3A_35 = arith.constant 10 : i32
      %mul3A_36 = arith.muli %scan3A_17, %mul3A_35 : i32
      %add3A_37 = arith.constant 2 : i32
      %add3A_38 = arith.addi %mul3A_36, %add3A_37 : i32
      "tpu.region"() ({
        %run_scoped3A = tpu.sem_alloc : memref<!tpu.dma_semaphore, #tpu.memory_space<semaphore_mem>>
        %dma_start3A_67 = arith.constant 200 : i32
        %dma_start3A_68 = arith.constant 0 : i32
        %dma_start3A_69 = tpu.memref_slice %arg7[%dma_start3A_67, %dma_start3A_68] : memref<1000x64xf32, #tpu.memory_space<vmem>> -> memref<100x64xf32, #tpu.memory_space<vmem>>
        %dma_start3A_70 = arith.constant 0 : i32
        %dma_start3A_71 = tpu.memref_slice %arg6[%add3A_38, %dma_start3A_70] : memref<100x100xi32, #tpu.memory_space<vmem>> -> memref<1x100xi32, #tpu.memory_space<vmem>>
        %dma_start3A_72 = tpu.memref_squeeze %dma_start3A_71 : memref<1x100xi32, #tpu.memory_space<vmem>> -> memref<100xi32, #tpu.memory_space<vmem>>
        %dma_start3A_73 = arith.constant 0 : i32
        %dma_start3A_74 = arith.constant 0 : i32
        %dma_start3A_75 = tpu.memref_slice %arg8[%dma_start3A_73, %dma_start3A_74] : memref<10240x64xf32, #tpu.memory_space<vmem_shared>> -> memref<10240x64xf32, #tpu.memory_space<vmem_shared>>
        tpu.enqueue_indirect_dma source(%dma_start3A_69 : memref<100x64xf32, #tpu.memory_space<vmem>>) target(%dma_start3A_75 : memref<10240x64xf32, #tpu.memory_space<vmem_shared>>) offsets(%dma_start3A_72 : memref<100xi32, #tpu.memory_space<vmem>>) semaphore(%run_scoped3A : memref<!tpu.dma_semaphore, #tpu.memory_space<semaphore_mem>>) {add = true}
        %dma_wait3A_76 = arith.constant 200 : i32
        %dma_wait3A_77 = arith.constant 0 : i32
        %dma_wait3A_78 = tpu.memref_slice %arg7[%dma_wait3A_76, %dma_wait3A_77] : memref<1000x64xf32, #tpu.memory_space<vmem>> -> memref<100x64xf32, #tpu.memory_space<vmem>>
        %dma_wait3A_79 = arith.constant 0 : i32
        %dma_wait3A_80 = tpu.memref_slice %arg6[%add3A_38, %dma_wait3A_79] : memref<100x100xi32, #tpu.memory_space<vmem>> -> memref<1x100xi32, #tpu.memory_space<vmem>>
        %dma_wait3A_81 = tpu.memref_squeeze %dma_wait3A_80 : memref<1x100xi32, #tpu.memory_space<vmem>> -> memref<100xi32, #tpu.memory_space<vmem>>
        %dma_wait3A_82 = arith.constant 0 : i32
        %dma_wait3A_83 = arith.constant 0 : i32
        %dma_wait3A_84 = tpu.memref_slice %arg8[%dma_wait3A_82, %dma_wait3A_83] : memref<10240x64xf32, #tpu.memory_space<vmem_shared>> -> memref<10240x64xf32, #tpu.memory_space<vmem_shared>>
        tpu.wait_indirect_dma semaphore(%run_scoped3A : memref<!tpu.dma_semaphore, #tpu.memory_space<semaphore_mem>>) src(%dma_wait3A_78 : memref<100x64xf32, #tpu.memory_space<vmem>>) dst(%dma_wait3A_84 : memref<10240x64xf32, #tpu.memory_space<vmem_shared>>)
        tpu.yield
      }) : () -> ()
      %mul3A_39 = arith.constant 10 : i32
      %mul3A_40 = arith.muli %scan3A_17, %mul3A_39 : i32
      %add3A_41 = arith.constant 3 : i32
      %add3A_42 = arith.addi %mul3A_40, %add3A_41 : i32
      "tpu.region"() ({
        %run_scoped3A = tpu.sem_alloc : memref<!tpu.dma_semaphore, #tpu.memory_space<semaphore_mem>>
        %dma_start3A_67 = arith.constant 300 : i32
        %dma_start3A_68 = arith.constant 0 : i32
        %dma_start3A_69 = tpu.memref_slice %arg7[%dma_start3A_67, %dma_start3A_68] : memref<1000x64xf32, #tpu.memory_space<vmem>> -> memref<100x64xf32, #tpu.memory_space<vmem>>
        %dma_start3A_70 = arith.constant 0 : i32
        %dma_start3A_71 = tpu.memref_slice %arg6[%add3A_42, %dma_start3A_70] : memref<100x100xi32, #tpu.memory_space<vmem>> -> memref<1x100xi32, #tpu.memory_space<vmem>>
        %dma_start3A_72 = tpu.memref_squeeze %dma_start3A_71 : memref<1x100xi32, #tpu.memory_space<vmem>> -> memref<100xi32, #tpu.memory_space<vmem>>
        %dma_start3A_73 = arith.constant 0 : i32
        %dma_start3A_74 = arith.constant 0 : i32
        %dma_start3A_75 = tpu.memref_slice %arg8[%dma_start3A_73, %dma_start3A_74] : memref<10240x64xf32, #tpu.memory_space<vmem_shared>> -> memref<10240x64xf32, #tpu.memory_space<vmem_shared>>
        tpu.enqueue_indirect_dma source(%dma_start3A_69 : memref<100x64xf32, #tpu.memory_space<vmem>>) target(%dma_start3A_75 : memref<10240x64xf32, #tpu.memory_space<vmem_shared>>) offsets(%dma_start3A_72 : memref<100xi32, #tpu.memory_space<vmem>>) semaphore(%run_scoped3A : memref<!tpu.dma_semaphore, #tpu.memory_space<semaphore_mem>>) {add = true}
        %dma_wait3A_76 = arith.constant 300 : i32
        %dma_wait3A_77 = arith.constant 0 : i32
        %dma_wait3A_78 = tpu.memref_slice %arg7[%dma_wait3A_76, %dma_wait3A_77] : memref<1000x64xf32, #tpu.memory_space<vmem>> -> memref<100x64xf32, #tpu.memory_space<vmem>>
        %dma_wait3A_79 = arith.constant 0 : i32
        %dma_wait3A_80 = tpu.memref_slice %arg6[%add3A_42, %dma_wait3A_79] : memref<100x100xi32, #tpu.memory_space<vmem>> -> memref<1x100xi32, #tpu.memory_space<vmem>>
        %dma_wait3A_81 = tpu.memref_squeeze %dma_wait3A_80 : memref<1x100xi32, #tpu.memory_space<vmem>> -> memref<100xi32, #tpu.memory_space<vmem>>
        %dma_wait3A_82 = arith.constant 0 : i32
        %dma_wait3A_83 = arith.constant 0 : i32
        %dma_wait3A_84 = tpu.memref_slice %arg8[%dma_wait3A_82, %dma_wait3A_83] : memref<10240x64xf32, #tpu.memory_space<vmem_shared>> -> memref<10240x64xf32, #tpu.memory_space<vmem_shared>>
        tpu.wait_indirect_dma semaphore(%run_scoped3A : memref<!tpu.dma_semaphore, #tpu.memory_space<semaphore_mem>>) src(%dma_wait3A_78 : memref<100x64xf32, #tpu.memory_space<vmem>>) dst(%dma_wait3A_84 : memref<10240x64xf32, #tpu.memory_space<vmem_shared>>)
        tpu.yield
      }) : () -> ()
      %mul3A_43 = arith.constant 10 : i32
      %mul3A_44 = arith.muli %scan3A_17, %mul3A_43 : i32
      %add3A_45 = arith.constant 4 : i32
      %add3A_46 = arith.addi %mul3A_44, %add3A_45 : i32
      "tpu.region"() ({
        %run_scoped3A = tpu.sem_alloc : memref<!tpu.dma_semaphore, #tpu.memory_space<semaphore_mem>>
        %dma_start3A_67 = arith.constant 400 : i32
        %dma_start3A_68 = arith.constant 0 : i32
        %dma_start3A_69 = tpu.memref_slice %arg7[%dma_start3A_67, %dma_start3A_68] : memref<1000x64xf32, #tpu.memory_space<vmem>> -> memref<100x64xf32, #tpu.memory_space<vmem>>
        %dma_start3A_70 = arith.constant 0 : i32
        %dma_start3A_71 = tpu.memref_slice %arg6[%add3A_46, %dma_start3A_70] : memref<100x100xi32, #tpu.memory_space<vmem>> -> memref<1x100xi32, #tpu.memory_space<vmem>>
        %dma_start3A_72 = tpu.memref_squeeze %dma_start3A_71 : memref<1x100xi32, #tpu.memory_space<vmem>> -> memref<100xi32, #tpu.memory_space<vmem>>
        %dma_start3A_73 = arith.constant 0 : i32
        %dma_start3A_74 = arith.constant 0 : i32
        %dma_start3A_75 = tpu.memref_slice %arg8[%dma_start3A_73, %dma_start3A_74] : memref<10240x64xf32, #tpu.memory_space<vmem_shared>> -> memref<10240x64xf32, #tpu.memory_space<vmem_shared>>
        tpu.enqueue_indirect_dma source(%dma_start3A_69 : memref<100x64xf32, #tpu.memory_space<vmem>>) target(%dma_start3A_75 : memref<10240x64xf32, #tpu.memory_space<vmem_shared>>) offsets(%dma_start3A_72 : memref<100xi32, #tpu.memory_space<vmem>>) semaphore(%run_scoped3A : memref<!tpu.dma_semaphore, #tpu.memory_space<semaphore_mem>>) {add = true}
        %dma_wait3A_76 = arith.constant 400 : i32
        %dma_wait3A_77 = arith.constant 0 : i32
        %dma_wait3A_78 = tpu.memref_slice %arg7[%dma_wait3A_76, %dma_wait3A_77] : memref<1000x64xf32, #tpu.memory_space<vmem>> -> memref<100x64xf32, #tpu.memory_space<vmem>>
        %dma_wait3A_79 = arith.constant 0 : i32
        %dma_wait3A_80 = tpu.memref_slice %arg6[%add3A_46, %dma_wait3A_79] : memref<100x100xi32, #tpu.memory_space<vmem>> -> memref<1x100xi32, #tpu.memory_space<vmem>>
        %dma_wait3A_81 = tpu.memref_squeeze %dma_wait3A_80 : memref<1x100xi32, #tpu.memory_space<vmem>> -> memref<100xi32, #tpu.memory_space<vmem>>
        %dma_wait3A_82 = arith.constant 0 : i32
        %dma_wait3A_83 = arith.constant 0 : i32
        %dma_wait3A_84 = tpu.memref_slice %arg8[%dma_wait3A_82, %dma_wait3A_83] : memref<10240x64xf32, #tpu.memory_space<vmem_shared>> -> memref<10240x64xf32, #tpu.memory_space<vmem_shared>>
        tpu.wait_indirect_dma semaphore(%run_scoped3A : memref<!tpu.dma_semaphore, #tpu.memory_space<semaphore_mem>>) src(%dma_wait3A_78 : memref<100x64xf32, #tpu.memory_space<vmem>>) dst(%dma_wait3A_84 : memref<10240x64xf32, #tpu.memory_space<vmem_shared>>)
        tpu.yield
      }) : () -> ()
      %mul3A_47 = arith.constant 10 : i32
      %mul3A_48 = arith.muli %scan3A_17, %mul3A_47 : i32
      %add3A_49 = arith.constant 5 : i32
      %add3A_50 = arith.addi %mul3A_48, %add3A_49 : i32
      "tpu.region"() ({
        %run_scoped3A = tpu.sem_alloc : memref<!tpu.dma_semaphore, #tpu.memory_space<semaphore_mem>>
        %dma_start3A_67 = arith.constant 500 : i32
        %dma_start3A_68 = arith.constant 0 : i32
        %dma_start3A_69 = tpu.memref_slice %arg7[%dma_start3A_67, %dma_start3A_68] : memref<1000x64xf32, #tpu.memory_space<vmem>> -> memref<100x64xf32, #tpu.memory_space<vmem>>
        %dma_start3A_70 = arith.constant 0 : i32
        %dma_start3A_71 = tpu.memref_slice %arg6[%add3A_50, %dma_start3A_70] : memref<100x100xi32, #tpu.memory_space<vmem>> -> memref<1x100xi32, #tpu.memory_space<vmem>>
        %dma_start3A_72 = tpu.memref_squeeze %dma_start3A_71 : memref<1x100xi32, #tpu.memory_space<vmem>> -> memref<100xi32, #tpu.memory_space<vmem>>
        %dma_start3A_73 = arith.constant 0 : i32
        %dma_start3A_74 = arith.constant 0 : i32
        %dma_start3A_75 = tpu.memref_slice %arg8[%dma_start3A_73, %dma_start3A_74] : memref<10240x64xf32, #tpu.memory_space<vmem_shared>> -> memref<10240x64xf32, #tpu.memory_space<vmem_shared>>
        tpu.enqueue_indirect_dma source(%dma_start3A_69 : memref<100x64xf32, #tpu.memory_space<vmem>>) target(%dma_start3A_75 : memref<10240x64xf32, #tpu.memory_space<vmem_shared>>) offsets(%dma_start3A_72 : memref<100xi32, #tpu.memory_space<vmem>>) semaphore(%run_scoped3A : memref<!tpu.dma_semaphore, #tpu.memory_space<semaphore_mem>>) {add = true}
        %dma_wait3A_76 = arith.constant 500 : i32
        %dma_wait3A_77 = arith.constant 0 : i32
        %dma_wait3A_78 = tpu.memref_slice %arg7[%dma_wait3A_76, %dma_wait3A_77] : memref<1000x64xf32, #tpu.memory_space<vmem>> -> memref<100x64xf32, #tpu.memory_space<vmem>>
        %dma_wait3A_79 = arith.constant 0 : i32
        %dma_wait3A_80 = tpu.memref_slice %arg6[%add3A_50, %dma_wait3A_79] : memref<100x100xi32, #tpu.memory_space<vmem>> -> memref<1x100xi32, #tpu.memory_space<vmem>>
        %dma_wait3A_81 = tpu.memref_squeeze %dma_wait3A_80 : memref<1x100xi32, #tpu.memory_space<vmem>> -> memref<100xi32, #tpu.memory_space<vmem>>
        %dma_wait3A_82 = arith.constant 0 : i32
        %dma_wait3A_83 = arith.constant 0 : i32
        %dma_wait3A_84 = tpu.memref_slice %arg8[%dma_wait3A_82, %dma_wait3A_83] : memref<10240x64xf32, #tpu.memory_space<vmem_shared>> -> memref<10240x64xf32, #tpu.memory_space<vmem_shared>>
        tpu.wait_indirect_dma semaphore(%run_scoped3A : memref<!tpu.dma_semaphore, #tpu.memory_space<semaphore_mem>>) src(%dma_wait3A_78 : memref<100x64xf32, #tpu.memory_space<vmem>>) dst(%dma_wait3A_84 : memref<10240x64xf32, #tpu.memory_space<vmem_shared>>)
        tpu.yield
      }) : () -> ()
      %mul3A_51 = arith.constant 10 : i32
      %mul3A_52 = arith.muli %scan3A_17, %mul3A_51 : i32
      %add3A_53 = arith.constant 6 : i32
      %add3A_54 = arith.addi %mul3A_52, %add3A_53 : i32
      "tpu.region"() ({
        %run_scoped3A = tpu.sem_alloc : memref<!tpu.dma_semaphore, #tpu.memory_space<semaphore_mem>>
        %dma_start3A_67 = arith.constant 600 : i32
        %dma_start3A_68 = arith.constant 0 : i32
        %dma_start3A_69 = tpu.memref_slice %arg7[%dma_start3A_67, %dma_start3A_68] : memref<1000x64xf32, #tpu.memory_space<vmem>> -> memref<100x64xf32, #tpu.memory_space<vmem>>
        %dma_start3A_70 = arith.constant 0 : i32
        %dma_start3A_71 = tpu.memref_slice %arg6[%add3A_54, %dma_start3A_70] : memref<100x100xi32, #tpu.memory_space<vmem>> -> memref<1x100xi32, #tpu.memory_space<vmem>>
        %dma_start3A_72 = tpu.memref_squeeze %dma_start3A_71 : memref<1x100xi32, #tpu.memory_space<vmem>> -> memref<100xi32, #tpu.memory_space<vmem>>
        %dma_start3A_73 = arith.constant 0 : i32
        %dma_start3A_74 = arith.constant 0 : i32
        %dma_start3A_75 = tpu.memref_slice %arg8[%dma_start3A_73, %dma_start3A_74] : memref<10240x64xf32, #tpu.memory_space<vmem_shared>> -> memref<10240x64xf32, #tpu.memory_space<vmem_shared>>
        tpu.enqueue_indirect_dma source(%dma_start3A_69 : memref<100x64xf32, #tpu.memory_space<vmem>>) target(%dma_start3A_75 : memref<10240x64xf32, #tpu.memory_space<vmem_shared>>) offsets(%dma_start3A_72 : memref<100xi32, #tpu.memory_space<vmem>>) semaphore(%run_scoped3A : memref<!tpu.dma_semaphore, #tpu.memory_space<semaphore_mem>>) {add = true}
        %dma_wait3A_76 = arith.constant 600 : i32
        %dma_wait3A_77 = arith.constant 0 : i32
        %dma_wait3A_78 = tpu.memref_slice %arg7[%dma_wait3A_76, %dma_wait3A_77] : memref<1000x64xf32, #tpu.memory_space<vmem>> -> memref<100x64xf32, #tpu.memory_space<vmem>>
        %dma_wait3A_79 = arith.constant 0 : i32
        %dma_wait3A_80 = tpu.memref_slice %arg6[%add3A_54, %dma_wait3A_79] : memref<100x100xi32, #tpu.memory_space<vmem>> -> memref<1x100xi32, #tpu.memory_space<vmem>>
        %dma_wait3A_81 = tpu.memref_squeeze %dma_wait3A_80 : memref<1x100xi32, #tpu.memory_space<vmem>> -> memref<100xi32, #tpu.memory_space<vmem>>
        %dma_wait3A_82 = arith.constant 0 : i32
        %dma_wait3A_83 = arith.constant 0 : i32
        %dma_wait3A_84 = tpu.memref_slice %arg8[%dma_wait3A_82, %dma_wait3A_83] : memref<10240x64xf32, #tpu.memory_space<vmem_shared>> -> memref<10240x64xf32, #tpu.memory_space<vmem_shared>>
        tpu.wait_indirect_dma semaphore(%run_scoped3A : memref<!tpu.dma_semaphore, #tpu.memory_space<semaphore_mem>>) src(%dma_wait3A_78 : memref<100x64xf32, #tpu.memory_space<vmem>>) dst(%dma_wait3A_84 : memref<10240x64xf32, #tpu.memory_space<vmem_shared>>)
        tpu.yield
      }) : () -> ()
      %mul3A_55 = arith.constant 10 : i32
      %mul3A_56 = arith.muli %scan3A_17, %mul3A_55 : i32
      %add3A_57 = arith.constant 7 : i32
      %add3A_58 = arith.addi %mul3A_56, %add3A_57 : i32
      "tpu.region"() ({
        %run_scoped3A = tpu.sem_alloc : memref<!tpu.dma_semaphore, #tpu.memory_space<semaphore_mem>>
        %dma_start3A_67 = arith.constant 700 : i32
        %dma_start3A_68 = arith.constant 0 : i32
        %dma_start3A_69 = tpu.memref_slice %arg7[%dma_start3A_67, %dma_start3A_68] : memref<1000x64xf32, #tpu.memory_space<vmem>> -> memref<100x64xf32, #tpu.memory_space<vmem>>
        %dma_start3A_70 = arith.constant 0 : i32
        %dma_start3A_71 = tpu.memref_slice %arg6[%add3A_58, %dma_start3A_70] : memref<100x100xi32, #tpu.memory_space<vmem>> -> memref<1x100xi32, #tpu.memory_space<vmem>>
        %dma_start3A_72 = tpu.memref_squeeze %dma_start3A_71 : memref<1x100xi32, #tpu.memory_space<vmem>> -> memref<100xi32, #tpu.memory_space<vmem>>
        %dma_start3A_73 = arith.constant 0 : i32
        %dma_start3A_74 = arith.constant 0 : i32
        %dma_start3A_75 = tpu.memref_slice %arg8[%dma_start3A_73, %dma_start3A_74] : memref<10240x64xf32, #tpu.memory_space<vmem_shared>> -> memref<10240x64xf32, #tpu.memory_space<vmem_shared>>
        tpu.enqueue_indirect_dma source(%dma_start3A_69 : memref<100x64xf32, #tpu.memory_space<vmem>>) target(%dma_start3A_75 : memref<10240x64xf32, #tpu.memory_space<vmem_shared>>) offsets(%dma_start3A_72 : memref<100xi32, #tpu.memory_space<vmem>>) semaphore(%run_scoped3A : memref<!tpu.dma_semaphore, #tpu.memory_space<semaphore_mem>>) {add = true}
        %dma_wait3A_76 = arith.constant 700 : i32
        %dma_wait3A_77 = arith.constant 0 : i32
        %dma_wait3A_78 = tpu.memref_slice %arg7[%dma_wait3A_76, %dma_wait3A_77] : memref<1000x64xf32, #tpu.memory_space<vmem>> -> memref<100x64xf32, #tpu.memory_space<vmem>>
        %dma_wait3A_79 = arith.constant 0 : i32
        %dma_wait3A_80 = tpu.memref_slice %arg6[%add3A_58, %dma_wait3A_79] : memref<100x100xi32, #tpu.memory_space<vmem>> -> memref<1x100xi32, #tpu.memory_space<vmem>>
        %dma_wait3A_81 = tpu.memref_squeeze %dma_wait3A_80 : memref<1x100xi32, #tpu.memory_space<vmem>> -> memref<100xi32, #tpu.memory_space<vmem>>
        %dma_wait3A_82 = arith.constant 0 : i32
        %dma_wait3A_83 = arith.constant 0 : i32
        %dma_wait3A_84 = tpu.memref_slice %arg8[%dma_wait3A_82, %dma_wait3A_83] : memref<10240x64xf32, #tpu.memory_space<vmem_shared>> -> memref<10240x64xf32, #tpu.memory_space<vmem_shared>>
        tpu.wait_indirect_dma semaphore(%run_scoped3A : memref<!tpu.dma_semaphore, #tpu.memory_space<semaphore_mem>>) src(%dma_wait3A_78 : memref<100x64xf32, #tpu.memory_space<vmem>>) dst(%dma_wait3A_84 : memref<10240x64xf32, #tpu.memory_space<vmem_shared>>)
        tpu.yield
      }) : () -> ()
      %mul3A_59 = arith.constant 10 : i32
      %mul3A_60 = arith.muli %scan3A_17, %mul3A_59 : i32
      %add3A_61 = arith.constant 8 : i32
      %add3A_62 = arith.addi %mul3A_60, %add3A_61 : i32
      "tpu.region"() ({
        %run_scoped3A = tpu.sem_alloc : memref<!tpu.dma_semaphore, #tpu.memory_space<semaphore_mem>>
        %dma_start3A_67 = arith.constant 800 : i32
        %dma_start3A_68 = arith.constant 0 : i32
        %dma_start3A_69 = tpu.memref_slice %arg7[%dma_start3A_67, %dma_start3A_68] : memref<1000x64xf32, #tpu.memory_space<vmem>> -> memref<100x64xf32, #tpu.memory_space<vmem>>
        %dma_start3A_70 = arith.constant 0 : i32
        %dma_start3A_71 = tpu.memref_slice %arg6[%add3A_62, %dma_start3A_70] : memref<100x100xi32, #tpu.memory_space<vmem>> -> memref<1x100xi32, #tpu.memory_space<vmem>>
        %dma_start3A_72 = tpu.memref_squeeze %dma_start3A_71 : memref<1x100xi32, #tpu.memory_space<vmem>> -> memref<100xi32, #tpu.memory_space<vmem>>
        %dma_start3A_73 = arith.constant 0 : i32
        %dma_start3A_74 = arith.constant 0 : i32
        %dma_start3A_75 = tpu.memref_slice %arg8[%dma_start3A_73, %dma_start3A_74] : memref<10240x64xf32, #tpu.memory_space<vmem_shared>> -> memref<10240x64xf32, #tpu.memory_space<vmem_shared>>
        tpu.enqueue_indirect_dma source(%dma_start3A_69 : memref<100x64xf32, #tpu.memory_space<vmem>>) target(%dma_start3A_75 : memref<10240x64xf32, #tpu.memory_space<vmem_shared>>) offsets(%dma_start3A_72 : memref<100xi32, #tpu.memory_space<vmem>>) semaphore(%run_scoped3A : memref<!tpu.dma_semaphore, #tpu.memory_space<semaphore_mem>>) {add = true}
        %dma_wait3A_76 = arith.constant 800 : i32
        %dma_wait3A_77 = arith.constant 0 : i32
        %dma_wait3A_78 = tpu.memref_slice %arg7[%dma_wait3A_76, %dma_wait3A_77] : memref<1000x64xf32, #tpu.memory_space<vmem>> -> memref<100x64xf32, #tpu.memory_space<vmem>>
        %dma_wait3A_79 = arith.constant 0 : i32
        %dma_wait3A_80 = tpu.memref_slice %arg6[%add3A_62, %dma_wait3A_79] : memref<100x100xi32, #tpu.memory_space<vmem>> -> memref<1x100xi32, #tpu.memory_space<vmem>>
        %dma_wait3A_81 = tpu.memref_squeeze %dma_wait3A_80 : memref<1x100xi32, #tpu.memory_space<vmem>> -> memref<100xi32, #tpu.memory_space<vmem>>
        %dma_wait3A_82 = arith.constant 0 : i32
        %dma_wait3A_83 = arith.constant 0 : i32
        %dma_wait3A_84 = tpu.memref_slice %arg8[%dma_wait3A_82, %dma_wait3A_83] : memref<10240x64xf32, #tpu.memory_space<vmem_shared>> -> memref<10240x64xf32, #tpu.memory_space<vmem_shared>>
        tpu.wait_indirect_dma semaphore(%run_scoped3A : memref<!tpu.dma_semaphore, #tpu.memory_space<semaphore_mem>>) src(%dma_wait3A_78 : memref<100x64xf32, #tpu.memory_space<vmem>>) dst(%dma_wait3A_84 : memref<10240x64xf32, #tpu.memory_space<vmem_shared>>)
        tpu.yield
      }) : () -> ()
      %mul3A_63 = arith.constant 10 : i32
      %mul3A_64 = arith.muli %scan3A_17, %mul3A_63 : i32
      %add3A_65 = arith.constant 9 : i32
      %add3A_66 = arith.addi %mul3A_64, %add3A_65 : i32
      "tpu.region"() ({
        %run_scoped3A = tpu.sem_alloc : memref<!tpu.dma_semaphore, #tpu.memory_space<semaphore_mem>>
        %dma_start3A_67 = arith.constant 900 : i32
        %dma_start3A_68 = arith.constant 0 : i32
        %dma_start3A_69 = tpu.memref_slice %arg7[%dma_start3A_67, %dma_start3A_68] : memref<1000x64xf32, #tpu.memory_space<vmem>> -> memref<100x64xf32, #tpu.memory_space<vmem>>
        %dma_start3A_70 = arith.constant 0 : i32
        %dma_start3A_71 = tpu.memref_slice %arg6[%add3A_66, %dma_start3A_70] : memref<100x100xi32, #tpu.memory_space<vmem>> -> memref<1x100xi32, #tpu.memory_space<vmem>>
        %dma_start3A_72 = tpu.memref_squeeze %dma_start3A_71 : memref<1x100xi32, #tpu.memory_space<vmem>> -> memref<100xi32, #tpu.memory_space<vmem>>
        %dma_start3A_73 = arith.constant 0 : i32
        %dma_start3A_74 = arith.constant 0 : i32
        %dma_start3A_75 = tpu.memref_slice %arg8[%dma_start3A_73, %dma_start3A_74] : memref<10240x64xf32, #tpu.memory_space<vmem_shared>> -> memref<10240x64xf32, #tpu.memory_space<vmem_shared>>
        tpu.enqueue_indirect_dma source(%dma_start3A_69 : memref<100x64xf32, #tpu.memory_space<vmem>>) target(%dma_start3A_75 : memref<10240x64xf32, #tpu.memory_space<vmem_shared>>) offsets(%dma_start3A_72 : memref<100xi32, #tpu.memory_space<vmem>>) semaphore(%run_scoped3A : memref<!tpu.dma_semaphore, #tpu.memory_space<semaphore_mem>>) {add = true}
        %dma_wait3A_76 = arith.constant 900 : i32
        %dma_wait3A_77 = arith.constant 0 : i32
        %dma_wait3A_78 = tpu.memref_slice %arg7[%dma_wait3A_76, %dma_wait3A_77] : memref<1000x64xf32, #tpu.memory_space<vmem>> -> memref<100x64xf32, #tpu.memory_space<vmem>>
        %dma_wait3A_79 = arith.constant 0 : i32
        %dma_wait3A_80 = tpu.memref_slice %arg6[%add3A_66, %dma_wait3A_79] : memref<100x100xi32, #tpu.memory_space<vmem>> -> memref<1x100xi32, #tpu.memory_space<vmem>>
        %dma_wait3A_81 = tpu.memref_squeeze %dma_wait3A_80 : memref<1x100xi32, #tpu.memory_space<vmem>> -> memref<100xi32, #tpu.memory_space<vmem>>
        %dma_wait3A_82 = arith.constant 0 : i32
        %dma_wait3A_83 = arith.constant 0 : i32
        %dma_wait3A_84 = tpu.memref_slice %arg8[%dma_wait3A_82, %dma_wait3A_83] : memref<10240x64xf32, #tpu.memory_space<vmem_shared>> -> memref<10240x64xf32, #tpu.memory_space<vmem_shared>>
        tpu.wait_indirect_dma semaphore(%run_scoped3A : memref<!tpu.dma_semaphore, #tpu.memory_space<semaphore_mem>>) src(%dma_wait3A_78 : memref<100x64xf32, #tpu.memory_space<vmem>>) dst(%dma_wait3A_84 : memref<10240x64xf32, #tpu.memory_space<vmem_shared>>)
        tpu.yield
      }) : () -> ()
    }
    %scan3A_11 = arith.constant 10 : i32
    %barrier3A_12 = arith.constant 0 : index
    tpu.barrier barrier_id(%barrier3A_12)
    %mul3A_13 = arith.constant 640 : i32
    %mul3A_14 = arith.muli %arg1, %mul3A_13 : i32
    %mul3A_15 = arith.constant 640 : i32
    %mul3A_16 = arith.muli %arg1, %mul3A_15 : i32
    "tpu.region"() ({
      %run_scoped3A = tpu.sem_alloc : memref<!tpu.dma_semaphore, #tpu.memory_space<semaphore_mem>>
      %dma_start3A = arith.constant 0 : i32
      %dma_start3A_17 = tpu.memref_slice %arg5[%arg0, %mul3A_16, %dma_start3A] : memref<2x10240x64xf32, #tpu.memory_space<hbm>> -> memref<1x640x64xf32, #tpu.memory_space<hbm>>
      %dma_start3A_18 = tpu.memref_squeeze %dma_start3A_17 : memref<1x640x64xf32, #tpu.memory_space<hbm>> -> memref<640x64xf32, #tpu.memory_space<hbm>>
      %dma_start3A_19 = arith.constant 0 : i32
      %dma_start3A_20 = tpu.memref_slice %arg8[%mul3A_14, %dma_start3A_19] : memref<10240x64xf32, #tpu.memory_space<vmem_shared>> -> memref<640x64xf32, #tpu.memory_space<vmem_shared>>
      tpu.enqueue_dma source(%dma_start3A_20 : memref<640x64xf32, #tpu.memory_space<vmem_shared>>) target(%dma_start3A_18 : memref<640x64xf32, #tpu.memory_space<hbm>>) target_semaphore(%run_scoped3A : memref<!tpu.dma_semaphore, #tpu.memory_space<semaphore_mem>>)
      %dma_wait3A = arith.constant 0 : i32
      %dma_wait3A_21 = tpu.memref_slice %arg5[%arg0, %mul3A_16, %dma_wait3A] : memref<2x10240x64xf32, #tpu.memory_space<hbm>> -> memref<1x640x64xf32, #tpu.memory_space<hbm>>
      %dma_wait3A_22 = tpu.memref_squeeze %dma_wait3A_21 : memref<1x640x64xf32, #tpu.memory_space<hbm>> -> memref<640x64xf32, #tpu.memory_space<hbm>>
      %dma_wait3A_23 = arith.constant 0 : i32
      %dma_wait3A_24 = tpu.memref_slice %arg8[%mul3A_14, %dma_wait3A_23] : memref<10240x64xf32, #tpu.memory_space<vmem_shared>> -> memref<640x64xf32, #tpu.memory_space<vmem_shared>>
      tpu.wait_dma2 semaphore(%run_scoped3A : memref<!tpu.dma_semaphore, #tpu.memory_space<semaphore_mem>>) src(%dma_wait3A_24 : memref<640x64xf32, #tpu.memory_space<vmem_shared>>) dst(%dma_wait3A_22 : memref<640x64xf32, #tpu.memory_space<hbm>>)
      tpu.yield
    }) : () -> ()
    return
  }
}

module attributes {stable_mosaic.version = 14 : i64} {
  func.func @_tce_body(%arg0: i32, %arg1: memref<4000x128xf32, #tpu.memory_space<vmem>>, %arg2: memref<4000x16xf32, #tpu.memory_space<vmem>>, %arg3: memref<128x192xf32, #tpu.memory_space<vmem>>, %arg4: memref<16x192xf32, #tpu.memory_space<vmem>>, %arg5: memref<1x64xf32, #tpu.memory_space<vmem>>, %arg6: memref<64x192xf32, #tpu.memory_space<vmem>>, %arg7: memref<1x192xf32, #tpu.memory_space<vmem>>, %arg8: memref<1x64xf32, #tpu.memory_space<vmem>>, %arg9: memref<4000x64xf32, #tpu.memory_space<vmem>>) attributes {dimension_semantics = [#tpu.dimension_semantics<arbitrary>], iteration_bounds = array<i64: 80>, scalar_prefetch = 0 : i64, scratch_operands = 0 : i64, tpu.core_type = #tpu.core_type<tc>, window_params = [{transform_indices = @transform_0, window_bounds = array<i64: 4000, 128>}, {transform_indices = @transform_1, window_bounds = array<i64: 4000, 16>}, {pipeline_mode = #tpu.pipeline_mode<synchronous>, transform_indices = @transform_2, window_bounds = array<i64: 128, 192>}, {pipeline_mode = #tpu.pipeline_mode<synchronous>, transform_indices = @transform_3, window_bounds = array<i64: 16, 192>}, {pipeline_mode = #tpu.pipeline_mode<synchronous>, transform_indices = @transform_4, window_bounds = array<i64: 1, 64>}, {pipeline_mode = #tpu.pipeline_mode<synchronous>, transform_indices = @transform_5, window_bounds = array<i64: 64, 192>}, {pipeline_mode = #tpu.pipeline_mode<synchronous>, transform_indices = @transform_6, window_bounds = array<i64: 1, 192>}, {pipeline_mode = #tpu.pipeline_mode<synchronous>, transform_indices = @transform_7, window_bounds = array<i64: 1, 64>}, {transform_indices = @transform_8, window_bounds = array<i64: 4000, 64>}]} {
    %get3A = arith.constant 0 : index
    %get3A_0 = arith.constant 0 : index
    %get3A_1 = vector.load %arg5[%get3A, %get3A_0] : memref<1x64xf32, #tpu.memory_space<vmem>>, vector<1x64xf32>
    %get3A_2 = arith.constant 0 : index
    %get3A_3 = arith.constant 0 : index
    %get3A_4 = vector.load %arg6[%get3A_2, %get3A_3] : memref<64x192xf32, #tpu.memory_space<vmem>>, vector<64x192xf32>
    %dot_general3A = arith.constant dense<0.000000e+00> : vector<1x192xf32>
    %dot_general3A_5 = tpu.matmul %get3A_1, %get3A_4, %dot_general3A {dimension_numbers = #tpu.dot_dimension_numbers<[1], [0], [0], [1], [0, 0, 1, 1], [], []>, transpose_lhs_hint = false} : vector<1x64xf32>, vector<64x192xf32>, vector<1x192xf32> -> vector<1x192xf32>
    %get3A_6 = arith.constant 0 : index
    %get3A_7 = arith.constant 0 : index
    %get3A_8 = vector.load %arg7[%get3A_6, %get3A_7] : memref<1x192xf32, #tpu.memory_space<vmem>>, vector<1x192xf32>
    %add3A = arith.addf %dot_general3A_5, %get3A_8 : vector<1x192xf32>
    %get3A_9 = arith.constant 0 : index
    %get3A_10 = arith.constant 0 : index
    %get3A_11 = vector.load %arg1[%get3A_9, %get3A_10] : memref<4000x128xf32, #tpu.memory_space<vmem>>, vector<4000x128xf32>
    %get3A_12 = arith.constant 0 : index
    %get3A_13 = arith.constant 0 : index
    %get3A_14 = vector.load %arg3[%get3A_12, %get3A_13] : memref<128x192xf32, #tpu.memory_space<vmem>>, vector<128x192xf32>
    %dot_general3A_15 = arith.constant dense<0.000000e+00> : vector<4000x192xf32>
    %dot_general3A_16 = tpu.matmul %get3A_11, %get3A_14, %dot_general3A_15 {dimension_numbers = #tpu.dot_dimension_numbers<[1], [0], [0], [1], [0, 0, 1, 1], [], []>, transpose_lhs_hint = false} : vector<4000x128xf32>, vector<128x192xf32>, vector<4000x192xf32> -> vector<4000x192xf32>
    %get3A_17 = arith.constant 0 : index
    %get3A_18 = arith.constant 0 : index
    %get3A_19 = vector.load %arg2[%get3A_17, %get3A_18] : memref<4000x16xf32, #tpu.memory_space<vmem>>, vector<4000x16xf32>
    %get3A_20 = arith.constant 0 : index
    %get3A_21 = arith.constant 0 : index
    %get3A_22 = vector.load %arg4[%get3A_20, %get3A_21] : memref<16x192xf32, #tpu.memory_space<vmem>>, vector<16x192xf32>
    %dot_general3A_23 = arith.constant dense<0.000000e+00> : vector<4000x192xf32>
    %dot_general3A_24 = tpu.matmul %get3A_19, %get3A_22, %dot_general3A_23 {dimension_numbers = #tpu.dot_dimension_numbers<[1], [0], [0], [1], [0, 0, 1, 1], [], []>, transpose_lhs_hint = false} : vector<4000x16xf32>, vector<16x192xf32>, vector<4000x192xf32> -> vector<4000x192xf32>
    %add3A_25 = arith.addf %dot_general3A_16, %dot_general3A_24 : vector<4000x192xf32>
    %add3A_26 = vector.broadcast %add3A : vector<1x192xf32> to vector<4000x192xf32>
    %add3A_27 = arith.addf %add3A_25, %add3A_26 : vector<4000x192xf32>
    %slice3A = vector.extract_strided_slice %add3A_27 {offsets = [0, 0], sizes = [4000, 64], strides = [1, 1]} : vector<4000x192xf32> to vector<4000x64xf32>
    %slice3A_28 = vector.extract_strided_slice %add3A_27 {offsets = [0, 64], sizes = [4000, 64], strides = [1, 1]} : vector<4000x192xf32> to vector<4000x64xf32>
    %slice3A_29 = vector.extract_strided_slice %add3A_27 {offsets = [0, 128], sizes = [4000, 64], strides = [1, 1]} : vector<4000x192xf32> to vector<4000x64xf32>
    %mul3A = arith.constant 5.000000e-01 : f32
    %mul3A_30 = vector.broadcast %mul3A : f32 to vector<4000x64xf32>
    %mul3A_31 = arith.mulf %mul3A_30, %slice3A : vector<4000x64xf32>
    %tanh3A = math.tanh %mul3A_31 : vector<4000x64xf32>
    %mul3A_32 = arith.constant 5.000000e-01 : f32
    %mul3A_33 = vector.broadcast %mul3A_32 : f32 to vector<4000x64xf32>
    %mul3A_34 = arith.mulf %mul3A_33, %tanh3A : vector<4000x64xf32>
    %add3A_35 = arith.constant 5.000000e-01 : f32
    %add3A_36 = vector.broadcast %add3A_35 : f32 to vector<4000x64xf32>
    %add3A_37 = arith.addf %add3A_36, %mul3A_34 : vector<4000x64xf32>
    %mul3A_38 = arith.constant 5.000000e-01 : f32
    %mul3A_39 = vector.broadcast %mul3A_38 : f32 to vector<4000x64xf32>
    %mul3A_40 = arith.mulf %mul3A_39, %slice3A_28 : vector<4000x64xf32>
    %tanh3A_41 = math.tanh %mul3A_40 : vector<4000x64xf32>
    %mul3A_42 = arith.constant 5.000000e-01 : f32
    %mul3A_43 = vector.broadcast %mul3A_42 : f32 to vector<4000x64xf32>
    %mul3A_44 = arith.mulf %mul3A_43, %tanh3A_41 : vector<4000x64xf32>
    %sub3A = arith.constant 5.000000e-01 : f32
    %sub3A_45 = vector.broadcast %sub3A : f32 to vector<4000x64xf32>
    %sub3A_46 = arith.subf %sub3A_45, %mul3A_44 : vector<4000x64xf32>
    %get3A_47 = arith.constant 0 : index
    %get3A_48 = arith.constant 0 : index
    %get3A_49 = vector.load %arg8[%get3A_47, %get3A_48] : memref<1x64xf32, #tpu.memory_space<vmem>>, vector<1x64xf32>
    %mul3A_50 = vector.broadcast %get3A_49 : vector<1x64xf32> to vector<4000x64xf32>
    %mul3A_51 = arith.mulf %add3A_37, %mul3A_50 : vector<4000x64xf32>
    %add3A_52 = arith.addf %slice3A_29, %mul3A_51 : vector<4000x64xf32>
    %tanh3A_53 = math.tanh %add3A_52 : vector<4000x64xf32>
    %mul3A_54 = arith.mulf %sub3A_46, %tanh3A_53 : vector<4000x64xf32>
    %swap3A = arith.constant 0 : index
    %swap3A_55 = arith.constant 0 : index
    %swap3A_56 = vector.load %arg9[%swap3A, %swap3A_55] : memref<4000x64xf32, #tpu.memory_space<vmem>>, vector<4000x64xf32>
    tpu.vector_store %arg9[%swap3A, %swap3A_55], %mul3A_54 {strides = array<i32>} : memref<4000x64xf32, #tpu.memory_space<vmem>>, vector<4000x64xf32>,
    return
  }
  func.func @transform_0(%arg0: i32) -> (i32, i32) {
    %c0_i32 = arith.constant 0 : i32
    %c0_i32_0 = arith.constant 0 : i32
    return %arg0, %c0_i32 : i32, i32
  }
  func.func @transform_1(%arg0: i32) -> (i32, i32) {
    %c0_i32 = arith.constant 0 : i32
    %c0_i32_0 = arith.constant 0 : i32
    return %arg0, %c0_i32 : i32, i32
  }
  func.func @transform_2(%arg0: i32) -> (i32, i32) {
    %c0_i32 = arith.constant 0 : i32
    %c0_i32_0 = arith.constant 0 : i32
    %c0_i32_1 = arith.constant 0 : i32
    return %c0_i32, %c0_i32_0 : i32, i32
  }
  func.func @transform_3(%arg0: i32) -> (i32, i32) {
    %c0_i32 = arith.constant 0 : i32
    %c0_i32_0 = arith.constant 0 : i32
    %c0_i32_1 = arith.constant 0 : i32
    return %c0_i32, %c0_i32_0 : i32, i32
  }
  func.func @transform_4(%arg0: i32) -> (i32, i32) {
    %c0_i32 = arith.constant 0 : i32
    %c0_i32_0 = arith.constant 0 : i32
    %c0_i32_1 = arith.constant 0 : i32
    return %c0_i32, %c0_i32_0 : i32, i32
  }
  func.func @transform_5(%arg0: i32) -> (i32, i32) {
    %c0_i32 = arith.constant 0 : i32
    %c0_i32_0 = arith.constant 0 : i32
    %c0_i32_1 = arith.constant 0 : i32
    return %c0_i32, %c0_i32_0 : i32, i32
  }
  func.func @transform_6(%arg0: i32) -> (i32, i32) {
    %c0_i32 = arith.constant 0 : i32
    %c0_i32_0 = arith.constant 0 : i32
    %c0_i32_1 = arith.constant 0 : i32
    return %c0_i32, %c0_i32_0 : i32, i32
  }
  func.func @transform_7(%arg0: i32) -> (i32, i32) {
    %c0_i32 = arith.constant 0 : i32
    %c0_i32_0 = arith.constant 0 : i32
    %c0_i32_1 = arith.constant 0 : i32
    return %c0_i32, %c0_i32_0 : i32, i32
  }
  func.func @transform_8(%arg0: i32) -> (i32, i32) {
    %c0_i32 = arith.constant 0 : i32
    %c0_i32_0 = arith.constant 0 : i32
    return %arg0, %c0_i32 : i32, i32
  }
}

module attributes {stable_mosaic.version = 14 : i64} {
  func.func @_tc2_body(%arg0: i32, %arg1: memref<2x1000x64xf32, #tpu.memory_space<vmem>>, %arg2: memref<1000x128xf32, #tpu.memory_space<vmem>>, %arg3: memref<64x192xf32, #tpu.memory_space<vmem>>, %arg4: memref<128x192xf32, #tpu.memory_space<vmem>>, %arg5: memref<1x64xf32, #tpu.memory_space<vmem>>, %arg6: memref<64x192xf32, #tpu.memory_space<vmem>>, %arg7: memref<1x192xf32, #tpu.memory_space<vmem>>, %arg8: memref<1x64xf32, #tpu.memory_space<vmem>>, %arg9: memref<192x64xf32, #tpu.memory_space<vmem>>, %arg10: memref<1x64xf32, #tpu.memory_space<vmem>>, %arg11: memref<1000x64xf32, #tpu.memory_space<vmem>>, %arg12: memref<1x64xf32, #tpu.memory_space<vmem>>, %arg13: memref<1x128xf32, #tpu.memory_space<vmem>>) attributes {dimension_semantics = [#tpu.dimension_semantics<arbitrary>], iteration_bounds = array<i64: 10>, scalar_prefetch = 0 : i64, scratch_operands = 1 : i64, tpu.core_type = #tpu.core_type<tc>, window_params = [{transform_indices = @transform_0, window_bounds = array<i64: 2, 1000, 64>}, {transform_indices = @transform_1, window_bounds = array<i64: 1000, 128>}, {pipeline_mode = #tpu.pipeline_mode<synchronous>, transform_indices = @transform_2, window_bounds = array<i64: 64, 192>}, {pipeline_mode = #tpu.pipeline_mode<synchronous>, transform_indices = @transform_3, window_bounds = array<i64: 128, 192>}, {pipeline_mode = #tpu.pipeline_mode<synchronous>, transform_indices = @transform_4, window_bounds = array<i64: 1, 64>}, {pipeline_mode = #tpu.pipeline_mode<synchronous>, transform_indices = @transform_5, window_bounds = array<i64: 64, 192>}, {pipeline_mode = #tpu.pipeline_mode<synchronous>, transform_indices = @transform_6, window_bounds = array<i64: 1, 192>}, {pipeline_mode = #tpu.pipeline_mode<synchronous>, transform_indices = @transform_7, window_bounds = array<i64: 1, 64>}, {pipeline_mode = #tpu.pipeline_mode<synchronous>, transform_indices = @transform_8, window_bounds = array<i64: 192, 64>}, {pipeline_mode = #tpu.pipeline_mode<synchronous>, transform_indices = @transform_9, window_bounds = array<i64: 1, 64>}, {transform_indices = @transform_10, window_bounds = array<i64: 1000, 64>}, {pipeline_mode = #tpu.pipeline_mode<synchronous>, transform_indices = @transform_11, window_bounds = array<i64: 1, 64>}]} {
    %get3A = arith.constant 0 : index
    %get3A_0 = arith.constant 0 : index
    %get3A_1 = arith.constant 0 : index
    %get3A_2 = vector.load %arg1[%get3A, %get3A_0, %get3A_1] : memref<2x1000x64xf32, #tpu.memory_space<vmem>>, vector<1x1000x64xf32>
    %get3A_3 = vector.shape_cast %get3A_2 : vector<1x1000x64xf32> to vector<1000x64xf32>
    %get3A_4 = arith.constant 1 : index
    %get3A_5 = arith.constant 0 : index
    %get3A_6 = arith.constant 0 : index
    %get3A_7 = vector.load %arg1[%get3A_4, %get3A_5, %get3A_6] : memref<2x1000x64xf32, #tpu.memory_space<vmem>>, vector<1x1000x64xf32>
    %get3A_8 = vector.shape_cast %get3A_7 : vector<1x1000x64xf32> to vector<1000x64xf32>
    %add3A = arith.addf %get3A_3, %get3A_8 : vector<1000x64xf32>
    %get3A_9 = arith.constant 0 : index
    %get3A_10 = arith.constant 0 : index
    %get3A_11 = vector.load %arg5[%get3A_9, %get3A_10] : memref<1x64xf32, #tpu.memory_space<vmem>>, vector<1x64xf32>
    %get3A_12 = arith.constant 0 : index
    %get3A_13 = arith.constant 0 : index
    %get3A_14 = vector.load %arg6[%get3A_12, %get3A_13] : memref<64x192xf32, #tpu.memory_space<vmem>>, vector<64x192xf32>
    %dot_general3A = arith.constant dense<0.000000e+00> : vector<1x192xf32>
    %dot_general3A_15 = tpu.matmul %get3A_11, %get3A_14, %dot_general3A {dimension_numbers = #tpu.dot_dimension_numbers<[1], [0], [0], [1], [0, 0, 1, 1], [], []>, transpose_lhs_hint = false} : vector<1x64xf32>, vector<64x192xf32>, vector<1x192xf32> -> vector<1x192xf32>
    %get3A_16 = arith.constant 0 : index
    %get3A_17 = arith.constant 0 : index
    %get3A_18 = vector.load %arg7[%get3A_16, %get3A_17] : memref<1x192xf32, #tpu.memory_space<vmem>>, vector<1x192xf32>
    %add3A_19 = arith.addf %dot_general3A_15, %get3A_18 : vector<1x192xf32>
    %get3A_20 = arith.constant 0 : index
    %get3A_21 = arith.constant 0 : index
    %get3A_22 = vector.load %arg3[%get3A_20, %get3A_21] : memref<64x192xf32, #tpu.memory_space<vmem>>, vector<64x192xf32>
    %dot_general3A_23 = arith.constant dense<0.000000e+00> : vector<1000x192xf32>
    %dot_general3A_24 = tpu.matmul %add3A, %get3A_22, %dot_general3A_23 {dimension_numbers = #tpu.dot_dimension_numbers<[1], [0], [0], [1], [0, 0, 1, 1], [], []>, transpose_lhs_hint = false} : vector<1000x64xf32>, vector<64x192xf32>, vector<1000x192xf32> -> vector<1000x192xf32>
    %get3A_25 = arith.constant 0 : index
    %get3A_26 = arith.constant 0 : index
    %get3A_27 = vector.load %arg2[%get3A_25, %get3A_26] : memref<1000x128xf32, #tpu.memory_space<vmem>>, vector<1000x128xf32>
    %get3A_28 = arith.constant 0 : index
    %get3A_29 = arith.constant 0 : index
    %get3A_30 = vector.load %arg4[%get3A_28, %get3A_29] : memref<128x192xf32, #tpu.memory_space<vmem>>, vector<128x192xf32>
    %dot_general3A_31 = arith.constant dense<0.000000e+00> : vector<1000x192xf32>
    %dot_general3A_32 = tpu.matmul %get3A_27, %get3A_30, %dot_general3A_31 {dimension_numbers = #tpu.dot_dimension_numbers<[1], [0], [0], [1], [0, 0, 1, 1], [], []>, transpose_lhs_hint = false} : vector<1000x128xf32>, vector<128x192xf32>, vector<1000x192xf32> -> vector<1000x192xf32>
    %add3A_33 = arith.addf %dot_general3A_24, %dot_general3A_32 : vector<1000x192xf32>
    %add3A_34 = vector.broadcast %add3A_19 : vector<1x192xf32> to vector<1000x192xf32>
    %add3A_35 = arith.addf %add3A_33, %add3A_34 : vector<1000x192xf32>
    %slice3A = vector.extract_strided_slice %add3A_35 {offsets = [0, 0], sizes = [1000, 64], strides = [1, 1]} : vector<1000x192xf32> to vector<1000x64xf32>
    %slice3A_36 = vector.extract_strided_slice %add3A_35 {offsets = [0, 64], sizes = [1000, 64], strides = [1, 1]} : vector<1000x192xf32> to vector<1000x64xf32>
    %slice3A_37 = vector.extract_strided_slice %add3A_35 {offsets = [0, 128], sizes = [1000, 64], strides = [1, 1]} : vector<1000x192xf32> to vector<1000x64xf32>
    %mul3A = arith.constant 5.000000e-01 : f32
    %mul3A_38 = vector.broadcast %mul3A : f32 to vector<1000x64xf32>
    %mul3A_39 = arith.mulf %mul3A_38, %slice3A : vector<1000x64xf32>
    %tanh3A = math.tanh %mul3A_39 : vector<1000x64xf32>
    %mul3A_40 = arith.constant 5.000000e-01 : f32
    %mul3A_41 = vector.broadcast %mul3A_40 : f32 to vector<1000x64xf32>
    %mul3A_42 = arith.mulf %mul3A_41, %tanh3A : vector<1000x64xf32>
    %add3A_43 = arith.constant 5.000000e-01 : f32
    %add3A_44 = vector.broadcast %add3A_43 : f32 to vector<1000x64xf32>
    %add3A_45 = arith.addf %add3A_44, %mul3A_42 : vector<1000x64xf32>
    %mul3A_46 = arith.constant 5.000000e-01 : f32
    %mul3A_47 = vector.broadcast %mul3A_46 : f32 to vector<1000x64xf32>
    %mul3A_48 = arith.mulf %mul3A_47, %slice3A_36 : vector<1000x64xf32>
    %tanh3A_49 = math.tanh %mul3A_48 : vector<1000x64xf32>
    %mul3A_50 = arith.constant 5.000000e-01 : f32
    %mul3A_51 = vector.broadcast %mul3A_50 : f32 to vector<1000x64xf32>
    %mul3A_52 = arith.mulf %mul3A_51, %tanh3A_49 : vector<1000x64xf32>
    %sub3A = arith.constant 5.000000e-01 : f32
    %sub3A_53 = vector.broadcast %sub3A : f32 to vector<1000x64xf32>
    %sub3A_54 = arith.subf %sub3A_53, %mul3A_52 : vector<1000x64xf32>
    %get3A_55 = arith.constant 0 : index
    %get3A_56 = arith.constant 0 : index
    %get3A_57 = vector.load %arg8[%get3A_55, %get3A_56] : memref<1x64xf32, #tpu.memory_space<vmem>>, vector<1x64xf32>
    %mul3A_58 = vector.broadcast %get3A_57 : vector<1x64xf32> to vector<1000x64xf32>
    %mul3A_59 = arith.mulf %add3A_45, %mul3A_58 : vector<1000x64xf32>
    %add3A_60 = arith.addf %slice3A_37, %mul3A_59 : vector<1000x64xf32>
    %tanh3A_61 = math.tanh %add3A_60 : vector<1000x64xf32>
    %mul3A_62 = arith.mulf %sub3A_54, %tanh3A_61 : vector<1000x64xf32>
    %swap3A = arith.constant 0 : index
    %swap3A_63 = arith.constant 0 : index
    %swap3A_64 = vector.load %arg11[%swap3A, %swap3A_63] : memref<1000x64xf32, #tpu.memory_space<vmem>>, vector<1000x64xf32>
    tpu.vector_store %arg11[%swap3A, %swap3A_63], %mul3A_62 {strides = array<i32>} : memref<1000x64xf32, #tpu.memory_space<vmem>>, vector<1000x64xf32>,
    %reduce_sum3A = arith.constant dense<0.000000e+00> : vector<64xf32>
    %reduce_sum3A_65 = vector.multi_reduction <add>, %add3A, %reduce_sum3A [0] : vector<1000x64xf32> to vector<64xf32>
    %broadcast_in_dim3A = vector.shape_cast %reduce_sum3A_65 : vector<64xf32> to vector<1x64xf32>
    %reduce_sum3A_66 = arith.constant dense<0.000000e+00> : vector<64xf32>
    %reduce_sum3A_67 = vector.multi_reduction <add>, %mul3A_62, %reduce_sum3A_66 [0] : vector<1000x64xf32> to vector<64xf32>
    %broadcast_in_dim3A_68 = vector.shape_cast %reduce_sum3A_67 : vector<64xf32> to vector<1x64xf32>
    %concatenate3A = tpu.concatenate %broadcast_in_dim3A, %broadcast_in_dim3A_68 in 1 : vector<1x64xf32>, vector<1x64xf32> -> vector<1x128xf32>
    %eq3A = arith.constant 0 : i32
    %eq3A_69 = arith.cmpi eq, %arg0, %eq3A : i32
    %convert_element_type3A = arith.extui %eq3A_69 : i1 to i32
    %cond3A = arith.constant 0 : i32
    %cond3A_70 = arith.cmpi ne, %convert_element_type3A, %cond3A : i32
    scf.if %cond3A_70 {
      %swap3A_80 = arith.constant 0 : index
      %swap3A_81 = arith.constant 0 : index
      %swap3A_82 = vector.load %arg13[%swap3A_80, %swap3A_81] : memref<1x128xf32, #tpu.memory_space<vmem>>, vector<1x128xf32>
      tpu.vector_store %arg13[%swap3A_80, %swap3A_81], %concatenate3A {strides = array<i32>} : memref<1x128xf32, #tpu.memory_space<vmem>>, vector<1x128xf32>,
    } else {
    }
    %gt3A = arith.constant 0 : i32
    %gt3A_71 = arith.cmpi sgt, %arg0, %gt3A : i32
    %convert_element_type3A_72 = arith.extui %gt3A_71 : i1 to i32
    %cond3A_73 = arith.constant 0 : i32
    %cond3A_74 = arith.cmpi ne, %convert_element_type3A_72, %cond3A_73 : i32
    scf.if %cond3A_74 {
      %get3A_80 = arith.constant 0 : index
      %get3A_81 = arith.constant 0 : index
      %get3A_82 = vector.load %arg13[%get3A_80, %get3A_81] : memref<1x128xf32, #tpu.memory_space<vmem>>, vector<1x128xf32>
      %add3A_83 = arith.addf %get3A_82, %concatenate3A : vector<1x128xf32>
      %swap3A_84 = arith.constant 0 : index
      %swap3A_85 = arith.constant 0 : index
      %swap3A_86 = vector.load %arg13[%swap3A_84, %swap3A_85] : memref<1x128xf32, #tpu.memory_space<vmem>>, vector<1x128xf32>
      tpu.vector_store %arg13[%swap3A_84, %swap3A_85], %add3A_83 {strides = array<i32>} : memref<1x128xf32, #tpu.memory_space<vmem>>, vector<1x128xf32>,
    } else {
    }
    %eq3A_75 = arith.constant 9 : i32
    %eq3A_76 = arith.cmpi eq, %arg0, %eq3A_75 : i32
    %convert_element_type3A_77 = arith.extui %eq3A_76 : i1 to i32
    %cond3A_78 = arith.constant 0 : i32
    %cond3A_79 = arith.cmpi ne, %convert_element_type3A_77, %cond3A_78 : i32
    scf.if %cond3A_79 {
      %get3A_80 = arith.constant 0 : index
      %get3A_81 = arith.constant 0 : index
      %get3A_82 = vector.load %arg13[%get3A_80, %get3A_81] : memref<1x128xf32, #tpu.memory_space<vmem>>, vector<1x64xf32>
      %mul3A_83 = arith.constant 3.125000e-06 : f32
      %mul3A_84 = vector.broadcast %mul3A_83 : f32 to vector<1x64xf32>
      %mul3A_85 = arith.mulf %get3A_82, %mul3A_84 : vector<1x64xf32>
      %get3A_86 = arith.constant 0 : index
      %get3A_87 = arith.constant 64 : index
      %get3A_88 = vector.load %arg13[%get3A_86, %get3A_87] : memref<1x128xf32, #tpu.memory_space<vmem>>, vector<1x64xf32>
      %mul3A_89 = arith.constant 9.99999974E-5 : f32
      %mul3A_90 = vector.broadcast %mul3A_89 : f32 to vector<1x64xf32>
      %mul3A_91 = arith.mulf %get3A_88, %mul3A_90 : vector<1x64xf32>
      %get3A_92 = arith.constant 0 : index
      %get3A_93 = arith.constant 0 : index
      %get3A_94 = vector.load %arg5[%get3A_92, %get3A_93] : memref<1x64xf32, #tpu.memory_space<vmem>>, vector<1x64xf32>
      %concatenate3A_95 = tpu.concatenate %mul3A_85, %mul3A_91, %get3A_94 in 1 : vector<1x64xf32>, vector<1x64xf32>, vector<1x64xf32> -> vector<1x192xf32>
      %get3A_96 = arith.constant 0 : index
      %get3A_97 = arith.constant 0 : index
      %get3A_98 = vector.load %arg9[%get3A_96, %get3A_97] : memref<192x64xf32, #tpu.memory_space<vmem>>, vector<192x64xf32>
      %dot_general3A_99 = arith.constant dense<0.000000e+00> : vector<1x64xf32>
      %dot_general3A_100 = tpu.matmul %concatenate3A_95, %get3A_98, %dot_general3A_99 {dimension_numbers = #tpu.dot_dimension_numbers<[1], [0], [0], [1], [0, 0, 1, 1], [], []>, transpose_lhs_hint = false} : vector<1x192xf32>, vector<192x64xf32>, vector<1x64xf32> -> vector<1x64xf32>
      %get3A_101 = arith.constant 0 : index
      %get3A_102 = arith.constant 0 : index
      %get3A_103 = vector.load %arg10[%get3A_101, %get3A_102] : memref<1x64xf32, #tpu.memory_space<vmem>>, vector<1x64xf32>
      %add3A_104 = arith.addf %dot_general3A_100, %get3A_103 : vector<1x64xf32>
      %max3A = arith.constant 0.000000e+00 : f32
      %max3A_105 = vector.broadcast %max3A : f32 to vector<1x64xf32>
      %max3A_106 = arith.maximumf %add3A_104, %max3A_105 : vector<1x64xf32>
      %swap3A_107 = arith.constant 0 : index
      %swap3A_108 = arith.constant 0 : index
      %swap3A_109 = vector.load %arg12[%swap3A_107, %swap3A_108] : memref<1x64xf32, #tpu.memory_space<vmem>>, vector<1x64xf32>
      tpu.vector_store %arg12[%swap3A_107, %swap3A_108], %max3A_106 {strides = array<i32>} : memref<1x64xf32, #tpu.memory_space<vmem>>, vector<1x64xf32>,
    } else {
    }
    return
  }
  func.func @transform_0(%arg0: i32) -> (i32, i32, i32) {
    %c0_i32 = arith.constant 0 : i32
    %c0_i32_0 = arith.constant 0 : i32
    %c0_i32_1 = arith.constant 0 : i32
    return %c0_i32, %arg0, %c0_i32_0 : i32, i32, i32
  }
  func.func @transform_1(%arg0: i32) -> (i32, i32) {
    %c0_i32 = arith.constant 0 : i32
    %c0_i32_0 = arith.constant 0 : i32
    return %arg0, %c0_i32 : i32, i32
  }
  func.func @transform_2(%arg0: i32) -> (i32, i32) {
    %c0_i32 = arith.constant 0 : i32
    %c0_i32_0 = arith.constant 0 : i32
    %c0_i32_1 = arith.constant 0 : i32
    return %c0_i32, %c0_i32_0 : i32, i32
  }
  func.func @transform_3(%arg0: i32) -> (i32, i32) {
    %c0_i32 = arith.constant 0 : i32
    %c0_i32_0 = arith.constant 0 : i32
    %c0_i32_1 = arith.constant 0 : i32
    return %c0_i32, %c0_i32_0 : i32, i32
  }
  func.func @transform_4(%arg0: i32) -> (i32, i32) {
    %c0_i32 = arith.constant 0 : i32
    %c0_i32_0 = arith.constant 0 : i32
    %c0_i32_1 = arith.constant 0 : i32
    return %c0_i32, %c0_i32_0 : i32, i32
  }
  func.func @transform_5(%arg0: i32) -> (i32, i32) {
    %c0_i32 = arith.constant 0 : i32
    %c0_i32_0 = arith.constant 0 : i32
    %c0_i32_1 = arith.constant 0 : i32
    return %c0_i32, %c0_i32_0 : i32, i32
  }
  func.func @transform_6(%arg0: i32) -> (i32, i32) {
    %c0_i32 = arith.constant 0 : i32
    %c0_i32_0 = arith.constant 0 : i32
    %c0_i32_1 = arith.constant 0 : i32
    return %c0_i32, %c0_i32_0 : i32, i32
  }
  func.func @transform_7(%arg0: i32) -> (i32, i32) {
    %c0_i32 = arith.constant 0 : i32
    %c0_i32_0 = arith.constant 0 : i32
    %c0_i32_1 = arith.constant 0 : i32
    return %c0_i32, %c0_i32_0 : i32, i32
  }
  func.func @transform_8(%arg0: i32) -> (i32, i32) {
    %c0_i32 = arith.constant 0 : i32
    %c0_i32_0 = arith.constant 0 : i32
    %c0_i32_1 = arith.constant 0 : i32
    return %c0_i32, %c0_i32_0 : i32, i32
  }
  func.func @transform_9(%arg0: i32) -> (i32, i32) {
    %c0_i32 = arith.constant 0 : i32
    %c0_i32_0 = arith.constant 0 : i32
    %c0_i32_1 = arith.constant 0 : i32
    return %c0_i32, %c0_i32_0 : i32, i32
  }
  func.func @transform_10(%arg0: i32) -> (i32, i32) {
    %c0_i32 = arith.constant 0 : i32
    %c0_i32_0 = arith.constant 0 : i32
    return %arg0, %c0_i32 : i32, i32
  }
  func.func @transform_11(%arg0: i32) -> (i32, i32) {
    %c0_i32 = arith.constant 0 : i32
    %c0_i32_0 = arith.constant 0 : i32
    %c0_i32_1 = arith.constant 0 : i32
    return %c0_i32, %c0_i32_0 : i32, i32
  }
}

</mosaic_0001>

<sc_bundles>
// kernel: kernel.6.cloned.1.call-start
scs
__scs_entry_jumppad:
0x0: {  	(pc) =	sbr.rel $0x88, $3  }
0x1: {  	(tag) =	ssettag $0x0;
	lr =	simm.s32 $0x1  }
0x2: {  	[smem:$0x3F95] =	sst lr;
	_ =	strace $0xD0000000  }
0x3: {  	_ = 	snop  }
0x4: {  	_ = 	snop  }
0x5: {  	_ = 	snop  }
0x6: {  	_ = 	snop  }
0x7: {  	_ = 	snop  }
__scs_overlays_trampoline_lowered:
0x8: {  	[smem:$0x3FA4] =	sst s0  }
0x9: {  	[smem:$0x3FA5] =	sst s1  }
0xa: {  	[smem:$0x3FA6] =	sst s2  }
0xb: {  	[smem:$0x3FA7] =	sst s3  }
0xc: {  	[smem:$0x3FA8] =	sst s4  }
0xd: {  	[smem:$0x3FA9] =	sst s5  }
0xe: {  	[smem:$0x3FAA] =	sst s6  }
0xf: {  	[smem:$0x3FAB] =	sst s7  }
0x10: {  	[smem:$0x3FAC] =	sst s8  }
0x11: {  	[smem:$0x3FAD] =	sst s9;
	s0 =	simm.s32 @!p0 $0x0  }
0x12: {  	s1 =	sld [smem:$0x3F93];
	s0 =	simm.s32 @p0 $0x1  }
0x13: {  	[smem:$0x3FAE] =	sst s0;
	s0 =	simm.s32 @!p1 $0x0  }
0x14: {  	s2 =	sld [smem:$0x3F92];
	s0 =	simm.s32 @p1 $0x1  }
0x15: {  	[smem:$0x3FAF] =	sst s0;
	s0 =	simm.s32 @!p2 $0x0  }
0x16: {  	s3 =	sld [smem:$0x3FDB];
	s0 =	simm.s32 @p2 $0x1  }
0x17: {  	s4 =	simm.s32 $0x1BF5;
	[smem:$0x3FB1] =	sst s0  }
0x18: {  	s0 =	sld [smem:$0x3F94];
	_ =	swait.ge [sflag:s4], $0x0  }
0x19: {  	s7 =	sld [smem:$0x3F95]  }
0x1a: {  	s8 =	sadd.s32 $0xFFFFE003, lr  }
0x1b: {  	s9 =	sadd.s32 $0xFFFFFEF7, lr;
	s5 =	simm.s32 $0xFFFFFFFF;
	p2 =	slt.u32 s8, $0xFFFFF086  }
0x1c: {  	p1 =	slt.u32 s9, $0xF7A;
	s5 =	simm.s32 @!p2 $0x0  }
0x1d: {  	s5 =	simm.s32 @p1 $0x1;
	p0 =	seq.s32 s7, s2  }
0x1e: {  	s7 =	smul.u32 @!p0 $0xF7A, s2;
	p2 =	seq.s32 @!p0 s5, $0x0  }
0x1f: {  	s9 =	smul.u32 $0xF7A, s1;
	s8 =	simm.s32 @!p0 $0x1BF5;
	p2 =	por !p2, p0  }
0x20: {  	[sflag:s8] =	ssyncset.s32 @!p0 $0xFFFFF086;
	s6 =	sadd.s32 @!p0 s3, s7;
	s7 =	simm.s32 @!p0 $0x108  }
0x21: {  	s3 =	sadd.s32 s3, s9;
	s6 =	sadd.s32 @!p0 $0x88, s6;
	s7 =	simm.s32 @p2 $0x1082  }
0x22: {  	[simem:s7], [sflag:s8] =	dma.local @!p0 [hbm:s6], $0xF7A  }
0x23: {  	s9 =	sor.u32 $0xD0000000, s2;
	s6 =	simm.s32 $0x108;
	_ =	swait.ge @!p0 [sflag:s8], $0x0  }
0x24: {  	s3 =	sadd.s32 $0x88, s3;
	s6 =	simm.s32 @!p1 $0x1082;
	[sflag:s4] =	ssyncset.s32 $0xFFFFF086  }
0x25: {  	[simem:s6], [sflag:s4] =	dma.local [hbm:s3], $0xF7A  }
0x26: {  	[smem:$0x3F95] =	sst s1;
	(tag) =	ssettag s2;
	_ =	strace s9  }
0x27: {  	s1 =	sld [smem:$0x3FA5]  }
0x28: {  	s2 =	sld [smem:$0x3FA6]  }
0x29: {  	s4 =	sld [smem:$0x3FA8]  }
0x2a: {  	p0 =	seq.s32 s5, $0x0;
	s5 =	sld [smem:$0x3FA9]  }
0x2b: {  	s6 =	sld [smem:$0x3FAA]  }
0x2c: {  	s7 =	sld [smem:$0x3FAB]  }
0x2d: {  	s3 =	simm.s32 $0x108;
	s8 =	sld [smem:$0x3FAC]  }
0x2e: {  	s3 =	simm.s32 @!p0 $0x1082;
	s9 =	sld [smem:$0x3FAD]  }
0x2f: {  	lr =	sadd.s32 s0, s3;
	s0 =	sld [smem:$0x3FA4]  }
0x30: {  	s3 =	sld [smem:$0x3FA7]  }
0x31: {  	[smem:$0x3FB0] =	sst s10  }
0x32: {  	s10 =	sld [smem:$0x3FAE];
	_ =	sdelay $0x3  }
0x33: {  	p0 =	seq.s32 s10, $0x1;
	s10 =	sld [smem:$0x3FB0];
	_ =	sdelay $0x3  }
0x34: {  	[smem:$0x3FB0] =	sst s10  }
0x35: {  	s10 =	sld [smem:$0x3FAF];
	_ =	sdelay $0x3  }
0x36: {  	p1 =	seq.s32 s10, $0x1;
	s10 =	sld [smem:$0x3FB0];
	_ =	sdelay $0x3  }
0x37: {  	[smem:$0x3FB0] =	sst s10  }
0x38: {  	s10 =	sld [smem:$0x3FB1]  }
0x39: {  	_ = 	snop;
	(pc) =	sbr.ind lr, $3  }
0x3a: {  	_ = 	snop  }
0x3b: {  	_ = 	snop  }
0x3c: {  	p2 =	seq.s32 s10, $0x1;
	s10 =	sld [smem:$0x3FB0]  }
0x3d: {  	_ =	shalt  }
0x3e: {  	_ =	shalt  }
0x3f: {  	_ =	shalt  }
0x40: {  	_ =	shalt  }
0x41: {  	_ =	shalt  }
0x42: {  	_ =	shalt  }
0x43: {  	_ =	shalt  }
0x44: {  	_ =	shalt  }
0x45: {  	_ =	shalt  }
0x46: {  	_ =	shalt  }
0x47: {  	_ =	shalt  }
0x48: {  	_ =	shalt  }
0x49: {  	_ =	shalt  }
0x4a: {  	_ =	shalt  }
0x4b: {  	_ =	shalt  }
0x4c: {  	_ =	shalt  }
0x4d: {  	_ =	shalt  }
0x4e: {  	_ =	shalt  }
0x4f: {  	_ =	shalt  }
0x50: {  	_ =	shalt  }
0x51: {  	_ =	shalt  }
0x52: {  	_ =	shalt  }
0x53: {  	_ =	shalt  }
0x54: {  	_ =	shalt  }
0x55: {  	_ =	shalt  }
0x56: {  	_ =	shalt  }
0x57: {  	_ =	shalt  }
0x58: {  	_ =	shalt  }
0x59: {  	_ =	shalt  }
0x5a: {  	_ =	shalt  }
0x5b: {  	_ =	shalt  }
0x5c: {  	_ =	shalt  }
0x5d: {  	_ =	shalt  }
0x5e: {  	_ =	shalt  }
0x5f: {  	_ =	shalt  }
0x60: {  	_ =	shalt  }
0x61: {  	_ =	shalt  }
0x62: {  	_ =	shalt  }
0x63: {  	_ =	shalt  }
0x64: {  	_ =	shalt  }
0x65: {  	_ =	shalt  }
0x66: {  	_ =	shalt  }
0x67: {  	_ =	shalt  }
0x68: {  	_ =	shalt  }
0x69: {  	_ =	shalt  }
0x6a: {  	_ =	shalt  }
0x6b: {  	_ =	shalt  }
0x6c: {  	_ =	shalt  }
0x6d: {  	_ =	shalt  }
0x6e: {  	_ =	shalt  }
0x6f: {  	_ =	shalt  }
0x70: {  	_ =	shalt  }
0x71: {  	_ =	shalt  }
0x72: {  	_ =	shalt  }
0x73: {  	_ =	shalt  }
0x74: {  	_ =	shalt  }
0x75: {  	_ =	shalt  }
0x76: {  	_ =	shalt  }
0x77: {  	_ =	shalt  }
0x78: {  	_ =	shalt  }
0x79: {  	_ =	shalt  }
0x7a: {  	_ =	shalt  }
0x7b: {  	_ =	shalt  }
0x7c: {  	_ =	shalt  }
0x7d: {  	_ =	shalt  }
0x7e: {  	_ =	shalt  }
0x7f: {  	_ =	shalt  }
0x80: {  	_ =	shalt  }
0x81: {  	_ =	shalt  }
0x82: {  	_ =	shalt  }
0x83: {  	_ =	shalt  }
0x84: {  	_ =	shalt  }
0x85: {  	_ =	shalt  }
0x86: {  	_ =	shalt  }
0x87: {  	_ =	shalt  }
.Lfunc_end0:
.L_simem_size_0:
called_computation_lowered:
.L_overlay_start_0:
0x88: {  	s2 =	sld [smem:$0x3FD9]  }
0x89: {  	s3 =	sld [smem:$0x3FFE];
	_ =	sdelay $0x1  }
0x8a: {  	s1 =	srdreg.scid  }
0x8b: {  	s0 =	sand.u32 $0x1, s1  }
0x8c: {  	s14 =	sshll.u32 s0, $0xA;
	s2 =	sadd.s32 s3, s2  }
0x8d: {  	s2 =	sadd.s32 s2, s14  }
0x8e: {  	[smem:$0x3FBC] =	sst s2  }
0x8f: {  	_ = 	snop  }
0x90: {  	s2 =	sld [smem:$0x3FD0];
	_ =	sdelay $0x2  }
0x91: {  	s4 =	simm.s32 $0xA;
	s5 =	simm.s32 $0x10;
	s15 =	sld [smem:$0x3FC9]  }
0x92: {  	[smem:s5], [sflag:s4] =	dma.local [hbm:s2], $0x1  }
0x93: {  	_ =	swait.eq [sflag:s4], $0x1  }
0x94: {  	[sflag:s4] =	ssyncset.done $0x0  }
0x95: {  	[sflag:s4] =	ssyncadd.s32 $0xFFFFFFFF  }
0x96: {  	s16 =	sld [smem:$0x10];
	(tm) =	ssettm $0x1  }
0x97: {  	s17 =	sld [smem:$0x3FFB];
	_ =	sdelay $0x3  }
0x98: {  	_ =	strace s17  }
0x99: {  	s4 =	sld [smem:$0x3FFC];
	_ =	sdelay $0x3  }
0x9a: {  	_ =	strace s4  }
0x9b: {  	s4 =	sld [smem:$0x3FFD];
	_ =	sdelay $0x3  }
0x9c: {  	_ =	strace s4  }
0x9d: {  	_ =	strace $0x8FFFFFFF  }
0x9e: {  	s18 =	sld [smem:$0x3FDB];
	_ =	sdelay $0x1  }
0x9f: {  	s19 =	simm.s32 $_scs_section_size  }
0xa0: {  	s6 =	simm.s32 $_size__tile_overlayer_lowered;
	s7 =	simm.s32 $_tile_overlayer_lowered  }
0xa1: {  	s22 =	simm.s32 $0x1BFF;
	s21 =	sshll.u32 s7, $0x1;
	s4 =	sadd.s32 s19, s18  }
0xa2: {  	s8 =	simm.s32 $0x0;
	s20 =	sshll.u32 s6, $0x1;
	s6 =	sadd.s32 s21, s4  }
0xa3: {  	[timem:s8], [sflag:s22] =	dma.local [hbm:s6], s20  }
0xa4: {  	_ =	swait.ge [sflag:s22], s20  }
0xa5: {  	s5 =	ssub.s32 $0x0, s20;
	[sflag:s22] =	ssyncset.done $0x0  }
0xa6: {  	[sflag:s22] =	ssyncadd.s32 s5;
	_ =	sdelay $0x1  }
0xa7: {  	s23 =	simm.s32 $0x1B8B  }
0xa8: {  	_ =	swait.ge [sflag:s23], $0x1  }
0xa9: {  	[sflag:s23] =	ssyncset.done $0x0  }
0xaa: {  	s25 =	simm.s32 $0x1B8E;
	s24 =	sld [smem:$0x3FFE];
	[sflag:s23] =	ssyncadd.s32 $0xFFFFFFFF  }
0xab: {  	s26 =	simm.s32 $execute0_lowered;
	[smem:$0x3FD2] =	sst s25  }
0xac: {  	s6 =	sshll.u32 s26, $0x1;
	_ =	strace $0x80000046;
	[dreg:$0x1] =	wrdreg $0xFFFFFFFF  }
0xad: {  	s28 =	simm.s32 $_size_execute0_lowered;
	s4 =	sadd.s32 s4, s6;
	[dreg:$0x0] =	wrdreg $0x0  }
0xae: {  	s6 =	sshll.u32 s28, $0x1;
	[dreg:$0x2] =	wrdreg s4  }
0xaf: {  	[dreg:$0x3] =	wrdreg s6  }
0xb0: {  	[dreg:$0x4] =	wrdreg $0xC0  }
0xb1: {  	_ =	task [dreg:s8], $0x5FFFF  }
0xb2: {  	[dreg:$0x1] =	wrdreg $0xFFFFFFFF  }
0xb3: {  	[dreg:$0x0] =	wrdreg $0x60  }
0xb4: {  	[dreg:$0x2] =	wrdreg s15  }
0xb5: {  	[dreg:$0x3] =	wrdreg s16  }
0xb6: {  	[dreg:$0x4] =	wrdreg s24  }
0xb7: {  	[dreg:$0x5] =	wrdreg $0x9  }
0xb8: {  	_ =	task.clear_ibuf [dreg:s8], $0x6FFFF;
	_ =	strace $0x90000046  }
0xb9: {  	s29 =	simm.s32 $0x9;
	_ =	strace $0x80000048  }
0xba: {  	_ =	swait.ge [sflag:s29], $0x1  }
0xbb: {  	[sflag:s29] =	ssyncadd.s32 $0xFFFFFFFF  }
0xbc: {  	_ =	strace $0x90000048  }
0xbd: {  	_ =	sfence  }
0xbe: {  	s30 =	sld [smem:$0x0];
	_ =	sdelay $0x2  }
0xbf: {  	s31 =	sshll.u32 s1, $0xD;
	s1 =	sshrl.u32 s1, $0x2  }
0xc0: {  	s3 =	sand.u32 $0x4000, s31;
	s1 =	sadd.s32 s1, s30  }
0xc1: {  	s0 =	sor.u32 s3, s0;
	s1 =	sshll.u32 s1, $0x11  }
0xc2: {  	s0 =	sor.u32 s1, s0  }
0xc3: {  	s0 =	sadd.s32 $0x8F2B, s0  }
0xc4: {  	[sflag:s0] =	ssyncadd.remote.s32 $0x1  }
0xc5: {  	_ =	sfence.sel $0xFFFF  }
0xc6: {  	[dreg:$0x0] =	wrdreg $0xFFFFFFFF;
	(pc) =	sbr.abs _section_cstart, $3  }
0xc7: {  	[dreg:$0x1] =	wrdreg $0xFFFFFFFF  }
0xc8: {  	_ =	task.clear_ibuf [dreg:s8], $0x2FFFF;
	_ =	strace $0x9FFFFFFF  }
0xc9: {  	(tm) =	ssettm $0x7FFFFFFF  }
tec
execute0_lowered:
.L_overlay_start_1:
0x0: {  	(tag) =	ssettag $0x1  }
0x1: {  	s0 =	rddreg [dreg:$0x0]  }
0x2: {  	s1 =	srdreg.scid;
	s2 =	rddreg [dreg:$0x1]  }
0x3: {  	s4 =	rddreg [dreg:$0x2];
	s9 =	stileid.u32;
	s3 =	simm.s32 $0x0  }
0x4: {  	s10 =	simm.s32 $0x50;
	s11 =	simm.s32 $0x2710;
	s19 =	simm.s32 $0x1  }
0x5: {  	s21 =	simm.s32 $0xEF10;
	s28 =	simm.s32 $0x16710;
	s29 =	simm.s32 $0x2D0  }
0x6: {  	s30 =	simm.s32 $0x18F10;
	s31 =	simm.s32 $0x2;
	s1 =	sand.u32 $0x1, s1  }
0x7: {  	s5 =	sshll.u32 s1, $0x4;
	s7 =	ssub.s32 $0x2, s1;
	s1 =	smul.u32 $0x271000, s1  }
0x8: {  	[smem:$0x7FF] =	sst s3;
	s5 =	sor.u32 s9, s5;
	s9 =	smul.u32 $0x27100, s9  }
0x9: {  	s8 =	sadd.s32 $0x2E00, s4;
	_ =	strace $0x80000047;
	s6 =	smul.u32 $0x2710, s5  }
0xa: {  	s25 =	sshrl.u32 s7, $0x1;
	s5 =	smul.u32 $0x27100, s5;
	s1 =	sadd.s32 s1, s8  }
0xb: {  	s7 =	ssub.s32 s7, s25;
	s25 =	simm.s32 $0x13F10;
	s1 =	sadd.s32 s9, s1  }
0xc: {  	s9 =	simm.s32 $0x3;
	s26 =	sshrl.u32 s6, $0x3;
	s5 =	sadd.s32 s8, s5  }
0xd: {  	s6 =	smax.u32 s7, $0x1;
	s16 =	sadd.s32 $0x3200, s1;
	s1 =	simm.s32 $0x0  }
0xe: {  	s4 =	sadd.s32 s2, s26;
	s7 =	sadd.s32 $0x1900, s5;
	s26 =	simm.s32 $0x280  }
.LBB2_1:
0xf: {  	[tilespmem:s3], [sflag:$0x3] =	stream.linear.gather [hbm4b:s4+s3], $0x2710, $0x38;
	[tilespmem:$0x1B710] =	vst v63  }
0x10: {  	_ =	swait.ge [sflag:s9], $0x2710  }
0x11: {  	[sflag:s9] =	ssyncset.done $0x0  }
0x12: {  	[sflag:s9] =	ssyncadd.s32 $0xFFFFD8F0  }
0x13: {  	[tilespmem:s11], [sflag:$0x1] =	stream.indirect.gather [hbm4b:s0+s10], $0x80, s3, s10, $0xb8;
	[tilespmem:$0x1B710] =	vst v63  }
0x14: {  	s2 =	simm.s32 $0x4F10  }
0x15: {  	[tilespmem:s2], [sflag:$0x1] =	stream.indirect.gather [hbm4b:s0+s10], $0x80, s10, s10, $0xb8;
	[tilespmem:$0x1B710] =	vst v63  }
0x16: {  	s14 =	simm.s32 $0xA0;
	s8 =	simm.s32 $0x7710  }
0x17: {  	[tilespmem:s8], [sflag:$0x1] =	stream.indirect.gather [hbm4b:s0+s10], $0x80, s14, s10, $0xb8;
	[tilespmem:$0x1B710] =	vst v63  }
0x18: {  	s15 =	simm.s32 $0xF0;
	s17 =	simm.s32 $0x9F10  }
0x19: {  	[tilespmem:s17], [sflag:$0x1] =	stream.indirect.gather [hbm4b:s0+s10], $0x80, s15, s10, $0xb8;
	[tilespmem:$0x1B710] =	vst v63  }
0x1a: {  	s18 =	simm.s32 $0x140;
	s20 =	simm.s32 $0xC710  }
0x1b: {  	[tilespmem:s20], [sflag:$0x1] =	stream.indirect.gather [hbm4b:s0+s10], $0x80, s18, s10, $0xb8;
	[tilespmem:$0x1B710] =	vst v63  }
0x1c: {  	_ =	swait.ge [sflag:s19], $0x2800  }
0x1d: {  	[sflag:s19] =	ssyncset.done $0x0  }
0x1e: {  	[sflag:s19] =	ssyncadd.s32 $0xFFFFD800  }
0x1f: {  	_ =	swait.ge [sflag:s19], $0x2800  }
0x20: {  	[sflag:s19] =	ssyncset.done $0x0  }
0x21: {  	[sflag:s19] =	ssyncadd.s32 $0xFFFFD800  }
0x22: {  	_ =	swait.ge [sflag:s19], $0x2800  }
0x23: {  	[sflag:s19] =	ssyncset.done $0x0  }
0x24: {  	[sflag:s19] =	ssyncadd.s32 $0xFFFFD800  }
0x25: {  	_ =	swait.ge [sflag:s19], $0x2800  }
0x26: {  	[sflag:s19] =	ssyncset.done $0x0  }
0x27: {  	[sflag:s19] =	ssyncadd.s32 $0xFFFFD800  }
0x28: {  	_ =	swait.ge [sflag:s19], $0x2800  }
0x29: {  	[sflag:s19] =	ssyncset.done $0x0  }
0x2a: {  	[sflag:s19] =	ssyncadd.s32 $0xFFFFD800  }
0x2b: {  	[hbm4b:s5+s3] =	stream.linear.scatter [tilespmem:s11], [sflag:$0x2], $0xC800, $0x38;
	[tilespmem:$0x1B710] =	vst v63  }
0x2c: {  	s22 =	simm.s32 $0x190  }
0x2d: {  	[tilespmem:s21], [sflag:$0x1] =	stream.indirect.gather [hbm4b:s0+s10], $0x80, s22, s10, $0xb8;
	[tilespmem:$0x1B710] =	vst v63  }
0x2e: {  	s23 =	simm.s32 $0x1E0;
	s24 =	simm.s32 $0x11710  }
0x2f: {  	[tilespmem:s24], [sflag:$0x1] =	stream.indirect.gather [hbm4b:s0+s10], $0x80, s23, s10, $0xb8;
	[tilespmem:$0x1B710] =	vst v63  }
0x30: {  	s12 =	simm.s32 $0x230  }
0x31: {  	[tilespmem:s25], [sflag:$0x1] =	stream.indirect.gather [hbm4b:s0+s10], $0x80, s12, s10, $0xb8;
	[tilespmem:$0x1B710] =	vst v63  }
0x32: {  	_ = 	snop  }
0x33: {  	[tilespmem:s28], [sflag:$0x1] =	stream.indirect.gather [hbm4b:s0+s10], $0x80, s26, s10, $0xb8;
	[tilespmem:$0x1B710] =	vst v63  }
0x34: {  	_ = 	snop  }
0x35: {  	[tilespmem:s30], [sflag:$0x1] =	stream.indirect.gather [hbm4b:s0+s10], $0x80, s29, s10, $0xb8;
	[tilespmem:$0x1B710] =	vst v63  }
0x36: {  	_ =	swait.ge [sflag:s19], $0x2800  }
0x37: {  	[sflag:s19] =	ssyncset.done $0x0  }
0x38: {  	[sflag:s19] =	ssyncadd.s32 $0xFFFFD800  }
0x39: {  	_ =	swait.ge [sflag:s19], $0x2800  }
0x3a: {  	[sflag:s19] =	ssyncset.done $0x0  }
0x3b: {  	[sflag:s19] =	ssyncadd.s32 $0xFFFFD800  }
0x3c: {  	_ =	swait.ge [sflag:s19], $0x2800  }
0x3d: {  	[sflag:s19] =	ssyncset.done $0x0  }
0x3e: {  	[sflag:s19] =	ssyncadd.s32 $0xFFFFD800  }
0x3f: {  	_ =	swait.ge [sflag:s19], $0x2800  }
0x40: {  	[sflag:s19] =	ssyncset.done $0x0  }
0x41: {  	[sflag:s19] =	ssyncadd.s32 $0xFFFFD800  }
0x42: {  	_ =	swait.ge [sflag:s19], $0x2800  }
0x43: {  	[sflag:s19] =	ssyncset.done $0x0  }
0x44: {  	s13 =	sand.u32 $0x1, s31;
	[sflag:s19] =	ssyncadd.s32 $0xFFFFD800  }
0x45: {  	[hbm4b:s7+s3] =	stream.linear.scatter [tilespmem:s21], [sflag:$0x2], $0xC800, $0x38;
	[tilespmem:$0x1B710] =	vst v63  }
0x46: {  	p0 =	seq.s32 s13, $0x1;
	s2 =	simm.s32 $0xC800;
	_ =	swait.ge [sflag:s31], $0xC800  }
0x47: {  	s2 =	simm.s32 @!p0 $0x0;
	[sflag:s31] =	ssyncset.done $0x0  }
0x48: {  	s14 =	simm.s32 $0x320;
	s12 =	sor.u32 $0x2710, s2;
	[sflag:s31] =	ssyncadd.s32 $0xFFFF3800  }
0x49: {  	[tilespmem:s12], [sflag:$0x1] =	stream.indirect.gather [hbm4b:s0+s10], $0x80, s14, s10, $0xb8;
	[tilespmem:$0x1B710] =	vst v63  }
0x4a: {  	s13 =	simm.s32 $0x370;
	s15 =	sadd.s32 $0x4F10, s2  }
0x4b: {  	[tilespmem:s15], [sflag:$0x1] =	stream.indirect.gather [hbm4b:s0+s10], $0x80, s13, s10, $0xb8;
	[tilespmem:$0x1B710] =	vst v63  }
0x4c: {  	s17 =	sadd.s32 $0x7710, s2;
	s18 =	simm.s32 $0x3C0  }
0x4d: {  	[tilespmem:s17], [sflag:$0x1] =	stream.indirect.gather [hbm4b:s0+s10], $0x80, s18, s10, $0xb8;
	[tilespmem:$0x1B710] =	vst v63  }
0x4e: {  	s20 =	sadd.s32 $0x9F10, s2;
	s22 =	simm.s32 $0x410  }
0x4f: {  	[tilespmem:s20], [sflag:$0x1] =	stream.indirect.gather [hbm4b:s0+s10], $0x80, s22, s10, $0xb8;
	[tilespmem:$0x1B710] =	vst v63  }
0x50: {  	s23 =	simm.s32 $0x460;
	s2 =	sadd.s32 $0xC710, s2  }
0x51: {  	[tilespmem:s2], [sflag:$0x1] =	stream.indirect.gather [hbm4b:s0+s10], $0x80, s23, s10, $0xb8;
	[tilespmem:$0x1B710] =	vst v63  }
0x52: {  	_ =	swait.ge [sflag:s19], $0x2800  }
0x53: {  	[sflag:s19] =	ssyncset.done $0x0  }
0x54: {  	[sflag:s19] =	ssyncadd.s32 $0xFFFFD800  }
0x55: {  	_ =	swait.ge [sflag:s19], $0x2800  }
0x56: {  	[sflag:s19] =	ssyncset.done $0x0  }
0x57: {  	[sflag:s19] =	ssyncadd.s32 $0xFFFFD800  }
0x58: {  	_ =	swait.ge [sflag:s19], $0x2800  }
0x59: {  	[sflag:s19] =	ssyncset.done $0x0  }
0x5a: {  	[sflag:s19] =	ssyncadd.s32 $0xFFFFD800  }
0x5b: {  	_ =	swait.ge [sflag:s19], $0x2800  }
0x5c: {  	[sflag:s19] =	ssyncset.done $0x0  }
0x5d: {  	s8 =	smov.u32 s16;
	[sflag:s19] =	ssyncadd.s32 $0xFFFFD800  }
0x5e: {  	s24 =	simm.s32 $0x3;
	s14 =	simm.s32 $0xC80;
	_ =	swait.ge [sflag:s19], $0x2800  }
0x5f: {  	s13 =	sand.u32 $0x1, s24;
	s15 =	simm.s32 $0x4;
	[sflag:s19] =	ssyncset.done $0x0  }
0x60: {  	s17 =	simm.s32 $0x640;
	s2 =	sadd.s32 $0x1900, s16;
	[sflag:s19] =	ssyncadd.s32 $0xFFFFD800  }
.LBB2_2:
0x61: {  	[hbm4b:s8+s3] =	stream.linear.scatter [tilespmem:s12], [sflag:$0x2], $0xC800, $0x38;
	[tilespmem:$0x1B710] =	vst v63  }
0x62: {  	s18 =	smov.u32 s14;
	s8 =	smov.u32 s2;
	p0 =	seq.s32 s13, $0x1  }
0x63: {  	s13 =	sand.u32 $0x1, s15;
	s20 =	simm.s32 $0xC800;
	_ =	swait.ge [sflag:s31], $0xC800  }
0x64: {  	s22 =	sshra.s32 s17, $0x2;
	s20 =	simm.s32 @!p0 $0x0;
	[sflag:s31] =	ssyncset.done $0x0  }
0x65: {  	s17 =	sadd.s32 $0x320, s22;
	s12 =	sor.u32 $0x2710, s20;
	[sflag:s31] =	ssyncadd.s32 $0xFFFF3800  }
0x66: {  	[tilespmem:s12], [sflag:$0x1] =	stream.indirect.gather [hbm4b:s0+s10], $0x80, s17, s10, $0xb8;
	[tilespmem:$0x1B710] =	vst v63  }
0x67: {  	p0 =	sne.s32 s14, $0x8980;
	s23 =	sadd.s32 $0x370, s22;
	s17 =	sadd.s32 $0x4F10, s20  }
0x68: {  	[tilespmem:s17], [sflag:$0x1] =	stream.indirect.gather [hbm4b:s0+s10], $0x80, s23, s10, $0xb8;
	[tilespmem:$0x1B710] =	vst v63  }
0x69: {  	s14 =	sadd.s32 $0x640, s14;
	s17 =	sadd.s32 $0x7710, s20;
	s23 =	sadd.s32 $0x3C0, s22  }
0x6a: {  	[tilespmem:s17], [sflag:$0x1] =	stream.indirect.gather [hbm4b:s0+s10], $0x80, s23, s10, $0xb8;
	[tilespmem:$0x1B710] =	vst v63  }
0x6b: {  	s24 =	sadd.s32 $0x410, s22;
	s23 =	sadd.s32 $0x9F10, s20;
	s17 =	smov.u32 s18  }
0x6c: {  	[tilespmem:s23], [sflag:$0x1] =	stream.indirect.gather [hbm4b:s0+s10], $0x80, s24, s10, $0xb8;
	[tilespmem:$0x1B710] =	vst v63  }
0x6d: {  	s18 =	sadd.s32 $0xC710, s20;
	s20 =	sadd.s32 $0x460, s22  }
0x6e: {  	[tilespmem:s18], [sflag:$0x1] =	stream.indirect.gather [hbm4b:s0+s10], $0x80, s20, s10, $0xb8;
	[tilespmem:$0x1B710] =	vst v63  }
0x6f: {  	_ =	swait.ge [sflag:s19], $0x2800  }
0x70: {  	[sflag:s19] =	ssyncset.done $0x0  }
0x71: {  	[sflag:s19] =	ssyncadd.s32 $0xFFFFD800  }
0x72: {  	_ =	swait.ge [sflag:s19], $0x2800  }
0x73: {  	[sflag:s19] =	ssyncset.done $0x0  }
0x74: {  	[sflag:s19] =	ssyncadd.s32 $0xFFFFD800  }
0x75: {  	_ =	swait.ge [sflag:s19], $0x2800  }
0x76: {  	[sflag:s19] =	ssyncset.done $0x0  }
0x77: {  	[sflag:s19] =	ssyncadd.s32 $0xFFFFD800  }
0x78: {  	_ =	swait.ge [sflag:s19], $0x2800  }
.Ltmp0:
0x79: {  	[sflag:s19] =	ssyncset.done $0x0;
	(pc) =	sbr.rel @p0 .LBB2_2-.Ltmp0, $4  }
0x7a: {  	[sflag:s19] =	ssyncadd.s32 $0xFFFFD800  }
0x7b: {  	_ =	swait.ge [sflag:s19], $0x2800  }
0x7c: {  	[sflag:s19] =	ssyncset.done $0x0  }
0x7d: {  	s15 =	sadd.s32 $0x1, s15;
	s2 =	sadd.s32 $0x1900, s2;
	[sflag:s19] =	ssyncadd.s32 $0xFFFFD800  }
0x7e: {  	[hbm4b:s8+s3] =	stream.linear.scatter [tilespmem:s12], [sflag:$0x2], $0xC800, $0x38;
	[tilespmem:$0x1B710] =	vst v63  }
0x7f: {  	p0 =	seq.s32 s13, $0x1;
	s8 =	simm.s32 $0xC800;
	_ =	swait.ge [sflag:s31], $0xC800  }
0x80: {  	s13 =	sshra.s32 s17, $0x2;
	s8 =	simm.s32 @!p0 $0x0;
	[sflag:s31] =	ssyncset.done $0x0  }
0x81: {  	s14 =	sadd.s32 $0x320, s13;
	s17 =	sor.u32 $0x2710, s8;
	[sflag:s31] =	ssyncadd.s32 $0xFFFF3800  }
0x82: {  	[tilespmem:s17], [sflag:$0x1] =	stream.indirect.gather [hbm4b:s0+s10], $0x80, s14, s10, $0xb8;
	[tilespmem:$0x1B710] =	vst v63  }
0x83: {  	s15 =	sadd.s32 $0x370, s13;
	s18 =	sadd.s32 $0x4F10, s8  }
0x84: {  	[tilespmem:s18], [sflag:$0x1] =	stream.indirect.gather [hbm4b:s0+s10], $0x80, s15, s10, $0xb8;
	[tilespmem:$0x1B710] =	vst v63  }
0x85: {  	s22 =	sadd.s32 $0x3C0, s13;
	s20 =	sadd.s32 $0x7710, s8  }
0x86: {  	[tilespmem:s20], [sflag:$0x1] =	stream.indirect.gather [hbm4b:s0+s10], $0x80, s22, s10, $0xb8;
	[tilespmem:$0x1B710] =	vst v63  }
0x87: {  	s24 =	sadd.s32 $0x410, s13;
	s23 =	sadd.s32 $0x9F10, s8  }
0x88: {  	[tilespmem:s23], [sflag:$0x1] =	stream.indirect.gather [hbm4b:s0+s10], $0x80, s24, s10, $0xb8;
	[tilespmem:$0x1B710] =	vst v63  }
0x89: {  	s12 =	sadd.s32 $0x460, s13;
	s8 =	sadd.s32 $0xC710, s8  }
0x8a: {  	[tilespmem:s8], [sflag:$0x1] =	stream.indirect.gather [hbm4b:s0+s10], $0x80, s12, s10, $0xb8;
	[tilespmem:$0x1B710] =	vst v63  }
0x8b: {  	_ =	swait.ge [sflag:s19], $0x2800  }
0x8c: {  	[sflag:s19] =	ssyncset.done $0x0  }
0x8d: {  	[sflag:s19] =	ssyncadd.s32 $0xFFFFD800  }
0x8e: {  	_ =	swait.ge [sflag:s19], $0x2800  }
0x8f: {  	[sflag:s19] =	ssyncset.done $0x0  }
0x90: {  	[sflag:s19] =	ssyncadd.s32 $0xFFFFD800  }
0x91: {  	_ =	swait.ge [sflag:s19], $0x2800  }
0x92: {  	[sflag:s19] =	ssyncset.done $0x0  }
0x93: {  	[sflag:s19] =	ssyncadd.s32 $0xFFFFD800  }
0x94: {  	_ =	swait.ge [sflag:s19], $0x2800  }
0x95: {  	[sflag:s19] =	ssyncset.done $0x0  }
0x96: {  	[sflag:s19] =	ssyncadd.s32 $0xFFFFD800  }
0x97: {  	_ =	swait.ge [sflag:s19], $0x2800  }
0x98: {  	[sflag:s19] =	ssyncset.done $0x0  }
0x99: {  	s1 =	sadd.s32 $0x1, s1;
	[sflag:s19] =	ssyncadd.s32 $0xFFFFD800  }
0x9a: {  	[hbm4b:s2+s3] =	stream.linear.scatter [tilespmem:s17], [sflag:$0x2], $0xC800, $0x38;
	[tilespmem:$0x1B710] =	vst v63  }
0x9b: {  	p0 =	sne.s32 s1, s6;
	_ =	swait.ge [sflag:s31], $0xC800  }
.Ltmp1:
0x9c: {  	[sflag:s31] =	ssyncset.done $0x0;
	(pc) =	sbr.rel @p0 .LBB2_1-.Ltmp1, $4  }
0x9d: {  	[sflag:s31] =	ssyncadd.s32 $0xFFFF3800  }
0x9e: {  	_ =	swait.ge [sflag:s31], $0xC800  }
0x9f: {  	[sflag:s31] =	ssyncset.done $0x0  }
0xa0: {  	[sflag:s31] =	ssyncadd.s32 $0xFFFF3800  }
0xa1: {  	_ =	sfence.sel $0x180000  }
0xa2: {  	[bflag:$0x0] =	sbarrier.arrive $0xFFFF  }
0xa3: {  	_ =	strace $0x90000047  }
0xa4: {  	s0 =	stileid.u32;
	[bflag:$0x2] =	sbarrier.arrive $0xFFFF  }
0xa5: {  	p0 =	sne.s32 s0, $0x0;
	s0 =	rddreg [dreg:$0x3]  }
0xa6: {  	s0 =	sadd.s32 @!p0 $0x100000, s0  }
0xa7: {  	[sflag:s0] =	ssyncadd.tile.s32 @!p0 $0x1;
	_ =	shalt  }
.Lfunc_end2:
_tile_overlayer_lowered:
.L_overlay_start_2:
0xa8: {  	(tag) =	ssettag $0x2  }
0xa9: {  	s0 =	rddreg [dreg:$0x0];
	s2 =	stileid.u32  }
0xaa: {  	s1 =	rddreg [dreg:$0x1];
	p0 =	sne.s32 s2, $0x0  }
0xab: {  	s3 =	rddreg [dreg:$0x2];
	[bflag:$0x3] =	sbarrier.arrive $0xFFFF;
	s2 =	simm.s32 @!p0 $0x1C03  }
0xac: {  	[timem:s3], [sflag:s2] =	dma.local @!p0 [hbm:s0], s1  }
0xad: {  	s0 =	simm.s32 @!p0 $0x3  }
0xae: {  	_ =	swait.ge @!p0 [sflag:s0], s1  }
0xaf: {  	s1 =	ssub.s32 @!p0 $0x0, s1;
	[sflag:s0] =	ssyncset.done @!p0 $0x0  }
0xb0: {  	[sflag:s0] =	ssyncadd.s32 @!p0 s1  }
0xb1: {  	[bflag:$0x3] =	sbarrier.arrive $0xFFFF  }
0xb2: {  	_ =	shalt  }

// kernel: kernel.9.cloned.1.call-start
scs
__scs_entry_jumppad:
0x0: {  	(pc) =	sbr.rel $0x88, $3  }
0x1: {  	(tag) =	ssettag $0x0;
	lr =	simm.s32 $0x1  }
0x2: {  	[smem:$0x3F95] =	sst lr;
	_ =	strace $0xD0000000  }
0x3: {  	_ = 	snop  }
0x4: {  	_ = 	snop  }
0x5: {  	_ = 	snop  }
0x6: {  	_ = 	snop  }
0x7: {  	_ = 	snop  }
__scs_overlays_trampoline_lowered:
0x8: {  	[smem:$0x3FA4] =	sst s0  }
0x9: {  	[smem:$0x3FA5] =	sst s1  }
0xa: {  	[smem:$0x3FA6] =	sst s2  }
0xb: {  	[smem:$0x3FA7] =	sst s3  }
0xc: {  	[smem:$0x3FA8] =	sst s4  }
0xd: {  	[smem:$0x3FA9] =	sst s5  }
0xe: {  	[smem:$0x3FAA] =	sst s6  }
0xf: {  	[smem:$0x3FAB] =	sst s7  }
0x10: {  	[smem:$0x3FAC] =	sst s8  }
0x11: {  	[smem:$0x3FAD] =	sst s9;
	s0 =	simm.s32 @!p0 $0x0  }
0x12: {  	s1 =	sld [smem:$0x3F93];
	s0 =	simm.s32 @p0 $0x1  }
0x13: {  	[smem:$0x3FAE] =	sst s0;
	s0 =	simm.s32 @!p1 $0x0  }
0x14: {  	s2 =	sld [smem:$0x3F92];
	s0 =	simm.s32 @p1 $0x1  }
0x15: {  	[smem:$0x3FAF] =	sst s0;
	s0 =	simm.s32 @!p2 $0x0  }
0x16: {  	s3 =	sld [smem:$0x3FDB];
	s0 =	simm.s32 @p2 $0x1  }
0x17: {  	s4 =	simm.s32 $0x1BF5;
	[smem:$0x3FB1] =	sst s0  }
0x18: {  	s0 =	sld [smem:$0x3F94];
	_ =	swait.ge [sflag:s4], $0x0  }
0x19: {  	s7 =	sld [smem:$0x3F95]  }
0x1a: {  	s8 =	sadd.s32 $0xFFFFE003, lr  }
0x1b: {  	s9 =	sadd.s32 $0xFFFFFEF7, lr;
	s5 =	simm.s32 $0xFFFFFFFF;
	p2 =	slt.u32 s8, $0xFFFFF086  }
0x1c: {  	p1 =	slt.u32 s9, $0xF7A;
	s5 =	simm.s32 @!p2 $0x0  }
0x1d: {  	s5 =	simm.s32 @p1 $0x1;
	p0 =	seq.s32 s7, s2  }
0x1e: {  	s7 =	smul.u32 @!p0 $0xF7A, s2;
	p2 =	seq.s32 @!p0 s5, $0x0  }
0x1f: {  	s9 =	smul.u32 $0xF7A, s1;
	s8 =	simm.s32 @!p0 $0x1BF5;
	p2 =	por !p2, p0  }
0x20: {  	[sflag:s8] =	ssyncset.s32 @!p0 $0xFFFFF086;
	s6 =	sadd.s32 @!p0 s3, s7;
	s7 =	simm.s32 @!p0 $0x108  }
0x21: {  	s3 =	sadd.s32 s3, s9;
	s6 =	sadd.s32 @!p0 $0x88, s6;
	s7 =	simm.s32 @p2 $0x1082  }
0x22: {  	[simem:s7], [sflag:s8] =	dma.local @!p0 [hbm:s6], $0xF7A  }
0x23: {  	s9 =	sor.u32 $0xD0000000, s2;
	s6 =	simm.s32 $0x108;
	_ =	swait.ge @!p0 [sflag:s8], $0x0  }
0x24: {  	s3 =	sadd.s32 $0x88, s3;
	s6 =	simm.s32 @!p1 $0x1082;
	[sflag:s4] =	ssyncset.s32 $0xFFFFF086  }
0x25: {  	[simem:s6], [sflag:s4] =	dma.local [hbm:s3], $0xF7A  }
0x26: {  	[smem:$0x3F95] =	sst s1;
	(tag) =	ssettag s2;
	_ =	strace s9  }
0x27: {  	s1 =	sld [smem:$0x3FA5]  }
0x28: {  	s2 =	sld [smem:$0x3FA6]  }
0x29: {  	s4 =	sld [smem:$0x3FA8]  }
0x2a: {  	p0 =	seq.s32 s5, $0x0;
	s5 =	sld [smem:$0x3FA9]  }
0x2b: {  	s6 =	sld [smem:$0x3FAA]  }
0x2c: {  	s7 =	sld [smem:$0x3FAB]  }
0x2d: {  	s3 =	simm.s32 $0x108;
	s8 =	sld [smem:$0x3FAC]  }
0x2e: {  	s3 =	simm.s32 @!p0 $0x1082;
	s9 =	sld [smem:$0x3FAD]  }
0x2f: {  	lr =	sadd.s32 s0, s3;
	s0 =	sld [smem:$0x3FA4]  }
0x30: {  	s3 =	sld [smem:$0x3FA7]  }
0x31: {  	[smem:$0x3FB0] =	sst s10  }
0x32: {  	s10 =	sld [smem:$0x3FAE];
	_ =	sdelay $0x3  }
0x33: {  	p0 =	seq.s32 s10, $0x1;
	s10 =	sld [smem:$0x3FB0];
	_ =	sdelay $0x3  }
0x34: {  	[smem:$0x3FB0] =	sst s10  }
0x35: {  	s10 =	sld [smem:$0x3FAF];
	_ =	sdelay $0x3  }
0x36: {  	p1 =	seq.s32 s10, $0x1;
	s10 =	sld [smem:$0x3FB0];
	_ =	sdelay $0x3  }
0x37: {  	[smem:$0x3FB0] =	sst s10  }
0x38: {  	s10 =	sld [smem:$0x3FB1]  }
0x39: {  	_ = 	snop;
	(pc) =	sbr.ind lr, $3  }
0x3a: {  	_ = 	snop  }
0x3b: {  	_ = 	snop  }
0x3c: {  	p2 =	seq.s32 s10, $0x1;
	s10 =	sld [smem:$0x3FB0]  }
0x3d: {  	_ =	shalt  }
0x3e: {  	_ =	shalt  }
0x3f: {  	_ =	shalt  }
0x40: {  	_ =	shalt  }
0x41: {  	_ =	shalt  }
0x42: {  	_ =	shalt  }
0x43: {  	_ =	shalt  }
0x44: {  	_ =	shalt  }
0x45: {  	_ =	shalt  }
0x46: {  	_ =	shalt  }
0x47: {  	_ =	shalt  }
0x48: {  	_ =	shalt  }
0x49: {  	_ =	shalt  }
0x4a: {  	_ =	shalt  }
0x4b: {  	_ =	shalt  }
0x4c: {  	_ =	shalt  }
0x4d: {  	_ =	shalt  }
0x4e: {  	_ =	shalt  }
0x4f: {  	_ =	shalt  }
0x50: {  	_ =	shalt  }
0x51: {  	_ =	shalt  }
0x52: {  	_ =	shalt  }
0x53: {  	_ =	shalt  }
0x54: {  	_ =	shalt  }
0x55: {  	_ =	shalt  }
0x56: {  	_ =	shalt  }
0x57: {  	_ =	shalt  }
0x58: {  	_ =	shalt  }
0x59: {  	_ =	shalt  }
0x5a: {  	_ =	shalt  }
0x5b: {  	_ =	shalt  }
0x5c: {  	_ =	shalt  }
0x5d: {  	_ =	shalt  }
0x5e: {  	_ =	shalt  }
0x5f: {  	_ =	shalt  }
0x60: {  	_ =	shalt  }
0x61: {  	_ =	shalt  }
0x62: {  	_ =	shalt  }
0x63: {  	_ =	shalt  }
0x64: {  	_ =	shalt  }
0x65: {  	_ =	shalt  }
0x66: {  	_ =	shalt  }
0x67: {  	_ =	shalt  }
0x68: {  	_ =	shalt  }
0x69: {  	_ =	shalt  }
0x6a: {  	_ =	shalt  }
0x6b: {  	_ =	shalt  }
0x6c: {  	_ =	shalt  }
0x6d: {  	_ =	shalt  }
0x6e: {  	_ =	shalt  }
0x6f: {  	_ =	shalt  }
0x70: {  	_ =	shalt  }
0x71: {  	_ =	shalt  }
0x72: {  	_ =	shalt  }
0x73: {  	_ =	shalt  }
0x74: {  	_ =	shalt  }
0x75: {  	_ =	shalt  }
0x76: {  	_ =	shalt  }
0x77: {  	_ =	shalt  }
0x78: {  	_ =	shalt  }
0x79: {  	_ =	shalt  }
0x7a: {  	_ =	shalt  }
0x7b: {  	_ =	shalt  }
0x7c: {  	_ =	shalt  }
0x7d: {  	_ =	shalt  }
0x7e: {  	_ =	shalt  }
0x7f: {  	_ =	shalt  }
0x80: {  	_ =	shalt  }
0x81: {  	_ =	shalt  }
0x82: {  	_ =	shalt  }
0x83: {  	_ =	shalt  }
0x84: {  	_ =	shalt  }
0x85: {  	_ =	shalt  }
0x86: {  	_ =	shalt  }
0x87: {  	_ =	shalt  }
.Lfunc_end0:
.L_simem_size_0:
called_computation.1_lowered:
.L_overlay_start_0:
0x88: {  	s2 =	sld [smem:$0x3FD9]  }
0x89: {  	s3 =	sld [smem:$0x3FFE];
	_ =	sdelay $0x1  }
0x8a: {  	s1 =	srdreg.scid  }
0x8b: {  	s0 =	sand.u32 $0x1, s1  }
0x8c: {  	s14 =	sshll.u32 s0, $0xA;
	s2 =	sadd.s32 s3, s2  }
0x8d: {  	s2 =	sadd.s32 s2, s14  }
0x8e: {  	[smem:$0x3FBC] =	sst s2  }
0x8f: {  	_ = 	snop  }
0x90: {  	s2 =	sld [smem:$0x3FD0];
	_ =	sdelay $0x2  }
0x91: {  	s15 =	simm.s32 $0xA;
	s4 =	simm.s32 $0x10  }
0x92: {  	[smem:s4], [sflag:s15] =	dma.local [hbm:s2], $0x1  }
0x93: {  	_ =	swait.eq [sflag:s15], $0x1  }
0x94: {  	[sflag:s15] =	ssyncset.done $0x0  }
0x95: {  	[sflag:s15] =	ssyncadd.s32 $0xFFFFFFFF  }
0x96: {  	s16 =	sld [smem:$0x11];
	(tm) =	ssettm $0x1  }
0x97: {  	s17 =	sld [smem:$0x3FFB];
	_ =	sdelay $0x3  }
0x98: {  	_ =	strace s17  }
0x99: {  	s3 =	sld [smem:$0x3FFC];
	_ =	sdelay $0x3  }
0x9a: {  	_ =	strace s3  }
0x9b: {  	s3 =	sld [smem:$0x3FFD];
	_ =	sdelay $0x3  }
0x9c: {  	_ =	strace s3  }
0x9d: {  	_ =	strace $0x8FFFFFFF  }
0x9e: {  	s18 =	sld [smem:$0x3FDB];
	_ =	sdelay $0x1  }
0x9f: {  	s19 =	simm.s32 $_scs_section_size  }
0xa0: {  	s5 =	simm.s32 $_size__tile_overlayer_lowered;
	s6 =	simm.s32 $_tile_overlayer_lowered  }
0xa1: {  	s22 =	simm.s32 $0x1BFF;
	s21 =	sshll.u32 s6, $0x1;
	s3 =	sadd.s32 s19, s18  }
0xa2: {  	s7 =	simm.s32 $0x0;
	s20 =	sshll.u32 s5, $0x1;
	s5 =	sadd.s32 s21, s3  }
0xa3: {  	[timem:s7], [sflag:s22] =	dma.local [hbm:s5], s20  }
0xa4: {  	_ =	swait.ge [sflag:s22], s20  }
0xa5: {  	s4 =	ssub.s32 $0x0, s20;
	[sflag:s22] =	ssyncset.done $0x0  }
0xa6: {  	[sflag:s22] =	ssyncadd.s32 s4;
	_ =	sdelay $0x1  }
0xa7: {  	s23 =	simm.s32 $0x1B8B  }
0xa8: {  	_ =	swait.ge [sflag:s23], $0x1  }
0xa9: {  	[sflag:s23] =	ssyncset.done $0x0  }
0xaa: {  	s25 =	simm.s32 $0x1B8E;
	s24 =	sld [smem:$0x3FFE];
	[sflag:s23] =	ssyncadd.s32 $0xFFFFFFFF  }
0xab: {  	s26 =	simm.s32 $execute0_lowered;
	[smem:$0x3FD2] =	sst s25  }
0xac: {  	s5 =	sshll.u32 s26, $0x1;
	_ =	strace $0x80000049;
	[dreg:$0x1] =	wrdreg $0xFFFFFFFF  }
0xad: {  	s28 =	simm.s32 $_size_execute0_lowered;
	s3 =	sadd.s32 s3, s5;
	[dreg:$0x0] =	wrdreg $0x0  }
0xae: {  	s5 =	sshll.u32 s28, $0x1;
	[dreg:$0x2] =	wrdreg s3  }
0xaf: {  	[dreg:$0x3] =	wrdreg s5  }
0xb0: {  	[dreg:$0x4] =	wrdreg $0xC0  }
0xb1: {  	_ =	task [dreg:s7], $0x5FFFF  }
0xb2: {  	[dreg:$0x1] =	wrdreg $0xFFFFFFFF  }
0xb3: {  	[dreg:$0x0] =	wrdreg $0x60  }
0xb4: {  	[dreg:$0x2] =	wrdreg s24  }
0xb5: {  	[dreg:$0x3] =	wrdreg s16  }
0xb6: {  	[dreg:$0x4] =	wrdreg $0x122A00  }
0xb7: {  	[dreg:$0x5] =	wrdreg $0x9  }
0xb8: {  	_ =	task.clear_ibuf [dreg:s7], $0x6FFFF;
	_ =	strace $0x90000049  }
0xb9: {  	s29 =	simm.s32 $0x9;
	_ =	strace $0x8000004B  }
0xba: {  	_ =	swait.ge [sflag:s29], $0x1  }
0xbb: {  	[sflag:s29] =	ssyncadd.s32 $0xFFFFFFFF  }
0xbc: {  	_ =	strace $0x9000004B  }
0xbd: {  	_ =	sfence  }
0xbe: {  	s30 =	sld [smem:$0x0];
	_ =	sdelay $0x2  }
0xbf: {  	s31 =	sshll.u32 s1, $0xD;
	s1 =	sshrl.u32 s1, $0x2  }
0xc0: {  	s3 =	sand.u32 $0x4000, s31;
	s1 =	sadd.s32 s1, s30  }
0xc1: {  	s0 =	sor.u32 s3, s0;
	s1 =	sshll.u32 s1, $0x11  }
0xc2: {  	s0 =	sor.u32 s1, s0  }
0xc3: {  	s0 =	sadd.s32 $0x8F2B, s0  }
0xc4: {  	[sflag:s0] =	ssyncadd.remote.s32 $0x1  }
0xc5: {  	_ =	sfence.sel $0xFFFF  }
0xc6: {  	[dreg:$0x0] =	wrdreg $0xFFFFFFFF;
	(pc) =	sbr.abs _section_cstart, $3  }
0xc7: {  	[dreg:$0x1] =	wrdreg $0xFFFFFFFF  }
0xc8: {  	_ =	task.clear_ibuf [dreg:s7], $0x2FFFF;
	_ =	strace $0x9FFFFFFF  }
0xc9: {  	(tm) =	ssettm $0x7FFFFFFF  }
tec
execute0_lowered:
.L_overlay_start_1:
0x0: {  	(tag) =	ssettag $0x1  }
0x1: {  	s4 =	rddreg [dreg:$0x0]  }
0x2: {  	s6 =	rddreg [dreg:$0x1]  }
0x3: {  	s2 =	rddreg [dreg:$0x2]  }
0x4: {  	s0 =	rddreg [dreg:$0x3];
	s5 =	srdreg.scid  }
0x5: {  	s1 =	stileid.u32;
	s3 =	simm.s32 $0x0;
	s15 =	simm.s32 $0x41A0  }
0x6: {  	s16 =	simm.s32 $0x5AA0;
	s17 =	simm.s32 $0x73A0;
	s18 =	simm.s32 $0x8CA0  }
0x7: {  	s19 =	simm.s32 $0xA5A0;
	s20 =	simm.s32 $0xBEA0;
	s21 =	simm.s32 $0xD7A0  }
0x8: {  	s22 =	simm.s32 $0xF0A0;
	s23 =	simm.s32 $0x109A0;
	s7 =	smul.u32 $0xA000, s1  }
0x9: {  	s24 =	simm.s32 $0x0;
	s5 =	sand.u32 $0x1, s5;
	s13 =	smul.u32 $0x13880, s1  }
0xa: {  	[smem:$0x7FF] =	sst s3;
	s30 =	sshll.u32 s1, $0x6;
	s8 =	smul.u32 $0x138800, s5  }
0xb: {  	_ =	strace $0x8000004A;
	s10 =	smul.u32 $0xA0000, s5;
	s11 =	sshll.u32 s5, $0x4  }
0xc: {  	s5 =	ssub.s32 $0x2, s5;
	s9 =	sshrl.u32 s7, $0x3;
	s11 =	sor.u32 s1, s11  }
0xd: {  	s12 =	sshrl.u32 s5, $0x1;
	s14 =	sadd.s32 s7, s2;
	s8 =	sadd.s32 s8, s4  }
0xe: {  	s9 =	sadd.s32 s9, s4;
	s10 =	sadd.s32 s7, s10;
	s11 =	smul.u32 $0x514, s11  }
0xf: {  	s12 =	ssub.s32 s5, s12;
	s5 =	sor.u32 $0x1C02, s30;
	s10 =	sshrl.u32 s10, $0x3  }
0x10: {  	s31 =	sadd.s32 s13, s8;
	s8 =	smax.u32 s12, $0x1;
	s12 =	simm.s32 $0x28A0  }
0x11: {  	s13 =	simm.s32 $0x1;
	s10 =	sadd.s32 s10, s4;
	s4 =	sadd.s32 $0x273E00, s9  }
0x12: {  	s6 =	sadd.s32 s6, s11;
	s9 =	sadd.s32 $0x2E00, s31;
	s11 =	simm.s32 $0x2  }
0x13: {  	s7 =	sadd.s32 $0x287E00, s10;
	s10 =	sshrl.u32 s14, $0x3;
	s14 =	simm.s32 $0x64  }
.LBB2_1:
0x14: {  	[spmem:s10], [sflag:s5] =	dma.local [hbm:s4], $0x1400  }
0x15: {  	_ =	swait.ge [sflag:s11], $0x1400  }
0x16: {  	[sflag:s11] =	ssyncset.done $0x0  }
0x17: {  	[sflag:s11] =	ssyncadd.s32 $0xFFFFEC00  }
0x18: {  	[tilespmem:s3], [sflag:$0x2] =	stream.linear.gather [hbm4b:s6+s3], $0x28A0, $0x38;
	[tilespmem:$0x1C2A0] =	vst v63  }
0x19: {  	_ =	swait.ge [sflag:s11], $0x28A0  }
0x1a: {  	[sflag:s11] =	ssyncset.done $0x0  }
0x1b: {  	[sflag:s11] =	ssyncadd.s32 $0xFFFFD760  }
0x1c: {  	[bflag:$0x0] =	sbarrier.arrive $0xFFFF  }
0x1d: {  	[tilespmem:s12], [sflag:$0x1] =	stream.linear.gather [hbm4b:s9+s3], $0xFA00, $0x38;
	[tilespmem:$0x1C2A0] =	vst v63  }
0x1e: {  	_ =	swait.ge [sflag:s13], $0xFA00  }
0x1f: {  	[sflag:s13] =	ssyncset.done $0x0  }
0x20: {  	s25 =	simm.s32 $0x0;
	[sflag:s13] =	ssyncadd.s32 $0xFFFF0600  }
0x21: {  	[spmem:s2] =	stream.indirect.scatter.add.f32 [tilespmem:s12], [sflag:$0x2], $0x40, s25, s14, $0xb8;
	[tilespmem:$0x1C2A0] =	vst v63  }
0x22: {  	_ =	swait.ge [sflag:s11], $0x1900  }
0x23: {  	[sflag:s11] =	ssyncset.done $0x0  }
0x24: {  	s28 =	simm.s32 $0x68;
	[sflag:s11] =	ssyncadd.s32 $0xFFFFE700  }
0x25: {  	[spmem:s2] =	stream.indirect.scatter.add.f32 [tilespmem:s15], [sflag:$0x2], $0x40, s28, s14, $0xb8;
	[tilespmem:$0x1C2A0] =	vst v63  }
0x26: {  	_ =	swait.ge [sflag:s11], $0x1900  }
0x27: {  	[sflag:s11] =	ssyncset.done $0x0  }
0x28: {  	s29 =	simm.s32 $0xD0;
	[sflag:s11] =	ssyncadd.s32 $0xFFFFE700  }
0x29: {  	[spmem:s2] =	stream.indirect.scatter.add.f32 [tilespmem:s16], [sflag:$0x2], $0x40, s29, s14, $0xb8;
	[tilespmem:$0x1C2A0] =	vst v63  }
0x2a: {  	_ =	swait.ge [sflag:s11], $0x1900  }
0x2b: {  	[sflag:s11] =	ssyncset.done $0x0  }
0x2c: {  	s30 =	simm.s32 $0x138;
	[sflag:s11] =	ssyncadd.s32 $0xFFFFE700  }
0x2d: {  	[spmem:s2] =	stream.indirect.scatter.add.f32 [tilespmem:s17], [sflag:$0x2], $0x40, s30, s14, $0xb8;
	[tilespmem:$0x1C2A0] =	vst v63  }
0x2e: {  	_ =	swait.ge [sflag:s11], $0x1900  }
0x2f: {  	[sflag:s11] =	ssyncset.done $0x0  }
0x30: {  	s31 =	simm.s32 $0x1A0;
	[sflag:s11] =	ssyncadd.s32 $0xFFFFE700  }
0x31: {  	[spmem:s2] =	stream.indirect.scatter.add.f32 [tilespmem:s18], [sflag:$0x2], $0x40, s31, s14, $0xb8;
	[tilespmem:$0x1C2A0] =	vst v63  }
0x32: {  	_ =	swait.ge [sflag:s11], $0x1900  }
0x33: {  	[sflag:s11] =	ssyncset.done $0x0  }
0x34: {  	s26 =	simm.s32 $0x208;
	[sflag:s11] =	ssyncadd.s32 $0xFFFFE700  }
0x35: {  	[spmem:s2] =	stream.indirect.scatter.add.f32 [tilespmem:s19], [sflag:$0x2], $0x40, s26, s14, $0xb8;
	[tilespmem:$0x1C2A0] =	vst v63  }
0x36: {  	_ =	swait.ge [sflag:s11], $0x1900  }
0x37: {  	[sflag:s11] =	ssyncset.done $0x0  }
0x38: {  	s28 =	simm.s32 $0x270;
	[sflag:s11] =	ssyncadd.s32 $0xFFFFE700  }
0x39: {  	[spmem:s2] =	stream.indirect.scatter.add.f32 [tilespmem:s20], [sflag:$0x2], $0x40, s28, s14, $0xb8;
	[tilespmem:$0x1C2A0] =	vst v63  }
0x3a: {  	_ =	swait.ge [sflag:s11], $0x1900  }
0x3b: {  	[sflag:s11] =	ssyncset.done $0x0  }
0x3c: {  	s29 =	simm.s32 $0x2D8;
	[sflag:s11] =	ssyncadd.s32 $0xFFFFE700  }
0x3d: {  	[spmem:s2] =	stream.indirect.scatter.add.f32 [tilespmem:s21], [sflag:$0x2], $0x40, s29, s14, $0xb8;
	[tilespmem:$0x1C2A0] =	vst v63  }
0x3e: {  	_ =	swait.ge [sflag:s11], $0x1900  }
0x3f: {  	[sflag:s11] =	ssyncset.done $0x0  }
0x40: {  	s30 =	simm.s32 $0x340;
	[sflag:s11] =	ssyncadd.s32 $0xFFFFE700  }
0x41: {  	[spmem:s2] =	stream.indirect.scatter.add.f32 [tilespmem:s22], [sflag:$0x2], $0x40, s30, s14, $0xb8;
	[tilespmem:$0x1C2A0] =	vst v63  }
0x42: {  	_ =	swait.ge [sflag:s11], $0x1900  }
0x43: {  	[sflag:s11] =	ssyncset.done $0x0  }
0x44: {  	s31 =	simm.s32 $0x3A8;
	[sflag:s11] =	ssyncadd.s32 $0xFFFFE700  }
0x45: {  	[spmem:s2] =	stream.indirect.scatter.add.f32 [tilespmem:s23], [sflag:$0x2], $0x40, s31, s14, $0xb8;
	[tilespmem:$0x1C2A0] =	vst v63  }
0x46: {  	_ =	swait.ge [sflag:s11], $0x1900  }
0x47: {  	s25 =	simm.s32 $0x1040;
	s26 =	smov.u32 s9;
	[sflag:s11] =	ssyncset.done $0x0  }
.LBB2_2:
0x48: {  	p0 =	sne.s32 s25, $0x9240;
	[sflag:s11] =	ssyncadd.s32 $0xFFFFE700;
	s26 =	sadd.s32 $0x1F40, s26  }
0x49: {  	[tilespmem:s12], [sflag:$0x1] =	stream.linear.gather [hbm4b:s26+s3], $0xFA00, $0x38;
	[tilespmem:$0x1C2A0] =	vst v63  }
0x4a: {  	s28 =	smov.u32 s25;
	s25 =	sadd.s32 $0x1040, s25;
	_ =	swait.ge [sflag:s13], $0xFA00  }
0x4b: {  	[sflag:s13] =	ssyncset.done $0x0  }
0x4c: {  	s28 =	sshra.s32 s28, $0x2;
	[sflag:s13] =	ssyncadd.s32 $0xFFFF0600  }
0x4d: {  	[spmem:s2] =	stream.indirect.scatter.add.f32 [tilespmem:s12], [sflag:$0x2], $0x40, s28, s14, $0xb8;
	[tilespmem:$0x1C2A0] =	vst v63  }
0x4e: {  	_ =	swait.ge [sflag:s11], $0x1900  }
0x4f: {  	[sflag:s11] =	ssyncset.done $0x0  }
0x50: {  	s29 =	sadd.s32 $0x68, s28;
	[sflag:s11] =	ssyncadd.s32 $0xFFFFE700  }
0x51: {  	[spmem:s2] =	stream.indirect.scatter.add.f32 [tilespmem:s15], [sflag:$0x2], $0x40, s29, s14, $0xb8;
	[tilespmem:$0x1C2A0] =	vst v63  }
0x52: {  	_ =	swait.ge [sflag:s11], $0x1900  }
0x53: {  	[sflag:s11] =	ssyncset.done $0x0  }
0x54: {  	s29 =	sadd.s32 $0xD0, s28;
	[sflag:s11] =	ssyncadd.s32 $0xFFFFE700  }
0x55: {  	[spmem:s2] =	stream.indirect.scatter.add.f32 [tilespmem:s16], [sflag:$0x2], $0x40, s29, s14, $0xb8;
	[tilespmem:$0x1C2A0] =	vst v63  }
0x56: {  	_ =	swait.ge [sflag:s11], $0x1900  }
0x57: {  	[sflag:s11] =	ssyncset.done $0x0  }
0x58: {  	s29 =	sadd.s32 $0x138, s28;
	[sflag:s11] =	ssyncadd.s32 $0xFFFFE700  }
0x59: {  	[spmem:s2] =	stream.indirect.scatter.add.f32 [tilespmem:s17], [sflag:$0x2], $0x40, s29, s14, $0xb8;
	[tilespmem:$0x1C2A0] =	vst v63  }
0x5a: {  	_ =	swait.ge [sflag:s11], $0x1900  }
0x5b: {  	[sflag:s11] =	ssyncset.done $0x0  }
0x5c: {  	s29 =	sadd.s32 $0x1A0, s28;
	[sflag:s11] =	ssyncadd.s32 $0xFFFFE700  }
0x5d: {  	[spmem:s2] =	stream.indirect.scatter.add.f32 [tilespmem:s18], [sflag:$0x2], $0x40, s29, s14, $0xb8;
	[tilespmem:$0x1C2A0] =	vst v63  }
0x5e: {  	_ =	swait.ge [sflag:s11], $0x1900  }
0x5f: {  	[sflag:s11] =	ssyncset.done $0x0  }
0x60: {  	s29 =	sadd.s32 $0x208, s28;
	[sflag:s11] =	ssyncadd.s32 $0xFFFFE700  }
0x61: {  	[spmem:s2] =	stream.indirect.scatter.add.f32 [tilespmem:s19], [sflag:$0x2], $0x40, s29, s14, $0xb8;
	[tilespmem:$0x1C2A0] =	vst v63  }
0x62: {  	_ =	swait.ge [sflag:s11], $0x1900  }
0x63: {  	[sflag:s11] =	ssyncset.done $0x0  }
0x64: {  	s29 =	sadd.s32 $0x270, s28;
	[sflag:s11] =	ssyncadd.s32 $0xFFFFE700  }
0x65: {  	[spmem:s2] =	stream.indirect.scatter.add.f32 [tilespmem:s20], [sflag:$0x2], $0x40, s29, s14, $0xb8;
	[tilespmem:$0x1C2A0] =	vst v63  }
0x66: {  	_ =	swait.ge [sflag:s11], $0x1900  }
0x67: {  	[sflag:s11] =	ssyncset.done $0x0  }
0x68: {  	s29 =	sadd.s32 $0x2D8, s28;
	[sflag:s11] =	ssyncadd.s32 $0xFFFFE700  }
0x69: {  	[spmem:s2] =	stream.indirect.scatter.add.f32 [tilespmem:s21], [sflag:$0x2], $0x40, s29, s14, $0xb8;
	[tilespmem:$0x1C2A0] =	vst v63  }
0x6a: {  	_ =	swait.ge [sflag:s11], $0x1900  }
0x6b: {  	[sflag:s11] =	ssyncset.done $0x0  }
0x6c: {  	s29 =	sadd.s32 $0x340, s28;
	[sflag:s11] =	ssyncadd.s32 $0xFFFFE700  }
0x6d: {  	[spmem:s2] =	stream.indirect.scatter.add.f32 [tilespmem:s22], [sflag:$0x2], $0x40, s29, s14, $0xb8;
	[tilespmem:$0x1C2A0] =	vst v63  }
0x6e: {  	_ =	swait.ge [sflag:s11], $0x1900  }
.Ltmp0:
0x6f: {  	[sflag:s11] =	ssyncset.done $0x0;
	(pc) =	sbr.rel @p0 .LBB2_2-.Ltmp0, $4  }
0x70: {  	s28 =	sadd.s32 $0x3A8, s28;
	[sflag:s11] =	ssyncadd.s32 $0xFFFFE700  }
0x71: {  	[spmem:s2] =	stream.indirect.scatter.add.f32 [tilespmem:s23], [sflag:$0x2], $0x40, s28, s14, $0xb8;
	[tilespmem:$0x1C2A0] =	vst v63  }
0x72: {  	_ =	swait.ge [sflag:s11], $0x1900  }
0x73: {  	[sflag:s11] =	ssyncset.done $0x0  }
0x74: {  	s24 =	sadd.s32 $0x1, s24  }
0x75: {  	[sflag:s11] =	ssyncadd.s32 $0xFFFFE700;
	p0 =	sne.s32 s24, s8  }
.Ltmp1:
0x76: {  	[bflag:$0x0] =	sbarrier.arrive $0xFFFF;
	(pc) =	sbr.rel @p0 .LBB2_1-.Ltmp1, $4  }
0x77: {  	[hbm:s7], [sflag:s5] =	dma.local [spmem:s10], $0x1400  }
0x78: {  	_ =	swait.ge [sflag:s11], $0x1400  }
0x79: {  	[sflag:s11] =	ssyncset.done $0x0  }
0x7a: {  	[sflag:s11] =	ssyncadd.s32 $0xFFFFEC00  }
0x7b: {  	_ =	sfence.sel $0x180000  }
0x7c: {  	[bflag:$0x0] =	sbarrier.arrive $0xFFFF  }
0x7d: {  	p0 =	sne.s32 s1, $0x0;
	_ =	strace $0x9000004A  }
0x7e: {  	s0 =	sadd.s32 @!p0 $0x100000, s0;
	[bflag:$0x2] =	sbarrier.arrive $0xFFFF  }
0x7f: {  	[sflag:s0] =	ssyncadd.tile.s32 @!p0 $0x1;
	_ =	shalt  }
.Lfunc_end2:
_tile_overlayer_lowered:
.L_overlay_start_2:
0x80: {  	(tag) =	ssettag $0x2  }
0x81: {  	s0 =	rddreg [dreg:$0x0];
	s2 =	stileid.u32  }
0x82: {  	s1 =	rddreg [dreg:$0x1];
	p0 =	sne.s32 s2, $0x0  }
0x83: {  	s3 =	rddreg [dreg:$0x2];
	[bflag:$0x3] =	sbarrier.arrive $0xFFFF;
	s2 =	simm.s32 @!p0 $0x1C02  }
0x84: {  	[timem:s3], [sflag:s2] =	dma.local @!p0 [hbm:s0], s1  }
0x85: {  	s0 =	simm.s32 @!p0 $0x2  }
0x86: {  	_ =	swait.ge @!p0 [sflag:s0], s1  }
0x87: {  	s1 =	ssub.s32 @!p0 $0x0, s1;
	[sflag:s0] =	ssyncset.done @!p0 $0x0  }
0x88: {  	[sflag:s0] =	ssyncadd.s32 @!p0 s1  }
0x89: {  	[bflag:$0x3] =	sbarrier.arrive $0xFFFF  }
0x8a: {  	_ =	shalt  }

</sc_bundles>
